<compile_context>
chip_gen: v7x
topology: tpu7x:2x2x1
jax: 0.10.2.dev20260603
libtpu: 0.0.44.dev20260713+nightly
codegen_flags: <defaults>
</compile_context>

<pallas_src>
import functools

import jax
import jax.numpy as jnp
from jax import lax
from jax.experimental import pallas as pl
from jax.experimental.pallas import tpu as pltpu
from jax.experimental.pallas import tpu_sc as plsc

N_NODES = 10000
N_EDGES = 160000
CHANNELS = 256
QUART = CHANNELS // 4
NSUB = 16
NBUF = 5
CHUNK = 80
CPS = 125
NOUTER = CPS // NBUF
NCHUNK_TOT = N_EDGES // CHUNK
ROWS_PER_SUB = N_NODES // NSUB


def _sc_agg(x, s2, t2):
  mesh = plsc.VectorSubcoreMesh(core_axis_name="c", subcore_axis_name="s")

  @functools.partial(
      pl.kernel,
      out_type=jax.ShapeDtypeStruct((N_NODES, CHANNELS), jnp.float32),
      mesh=mesh,
      scratch_types=[
          pltpu.VMEM((CPS, CHUNK), jnp.int32),
          pltpu.VMEM((CPS, CHUNK), jnp.int32),
          pltpu.VMEM((NBUF, CHUNK, QUART), jnp.float32),
          pltpu.VMEM_SHARED((N_NODES, QUART), jnp.float32),
          pltpu.VMEM_SHARED((N_NODES, QUART), jnp.float32),
          pltpu.SemaphoreType.DMA,
          pltpu.SemaphoreType.DMA,
          pltpu.SemaphoreType.DMA,
          pltpu.SemaphoreType.DMA,
          pltpu.SemaphoreType.DMA,
      ],
      compiler_params=pltpu.CompilerParams(use_tc_tiling_on_sc=False),
  )
  def k(x_hbm, s_hbm, t_hbm, out_hbm, sidx, tidx, rows, table, slab,
        g0, g1, g2, g3, g4):
    gsem = [g0, g1, g2, g3, g4]
    c = lax.axis_index("c")
    s = lax.axis_index("s")
    nsl = pl.ds(s * ROWS_PER_SUB, ROWS_PER_SUB)
    cbase = s * CPS

    pltpu.sync_copy(s_hbm.at[pl.ds(cbase, CPS)], sidx)
    pltpu.sync_copy(t_hbm.at[pl.ds(cbase, CPS)], tidx)

    for p in range(2):
      q = c * 2 + p
      csl = pl.ds(q * QUART, QUART)

      pltpu.sync_copy(x_hbm.at[nsl, csl], table.at[nsl])
      pltpu.sync_copy(x_hbm.at[nsl, csl], slab.at[nsl])
      plsc.subcore_barrier()

      def outer(g):
        for b in range(NBUF):
          pltpu.async_copy(table.at[sidx.at[g * NBUF + b]], rows.at[b],
                           gsem[b])
        for b in range(NBUF):
          pltpu.make_async_copy(table.at[sidx.at[g * NBUF + b]], rows.at[b],
                                gsem[b]).wait()
          pltpu.sync_copy(rows.at[b], slab.at[tidx.at[g * NBUF + b]],
                          add=True)

      pl.loop(0, NOUTER)(outer)
      plsc.subcore_barrier()

      pltpu.sync_copy(slab.at[nsl], out_hbm.at[nsl, csl])
      plsc.subcore_barrier()

  return k(x, s2, t2)


def _mm_body(agg_ref, norm_ref, w_ref, out_ref):
  h = norm_ref[...] * agg_ref[...]
  out_ref[...] = jnp.dot(h, w_ref[...], preferred_element_type=jnp.float32)


def _tc_matmul(agg, norm, weight):
  bn = 512
  grid = (pl.cdiv(N_NODES, bn),)
  return pl.pallas_call(
      _mm_body,
      grid=grid,
      in_specs=[
          pl.BlockSpec((bn, CHANNELS), lambda i: (i, 0)),
          pl.BlockSpec((bn, 1), lambda i: (i, 0)),
          pl.BlockSpec((CHANNELS, CHANNELS), lambda i: (0, 0)),
      ],
      out_specs=pl.BlockSpec((bn, CHANNELS), lambda i: (i, 0)),
      out_shape=jax.ShapeDtypeStruct((N_NODES, CHANNELS), jnp.float32),
  )(agg, norm, weight)


def kernel(x, sources, targets, norm, weight):
  s2 = sources.astype(jnp.int32).reshape(NCHUNK_TOT, CHUNK)
  t2 = targets.astype(jnp.int32).reshape(NCHUNK_TOT, CHUNK)
  agg = _sc_agg(x, s2, t2)
  return _tc_matmul(agg, norm, weight)

# --- scband reference (transcript-rebuilt; emitter-appended) ---
"""Pipeline reference for scband-conv-13589276525053 (READ-ONLY COPY).

The authoritative reference and input builder live on the scoring server;
editing this copy changes nothing except your own understanding.
"""

import jax, jax.numpy as jnp
import numpy as np

CHANNELS = 256
N_NODES = 10000
N_EDGES = 160000

def setup_inputs(seed: int = 0) -> dict:
    key = jax.random.key(seed)
    k_x, k_s, k_t, k_n, k_w = jax.random.split(key, 5)
    x = jax.random.normal(k_x, (N_NODES, CHANNELS), dtype=jnp.float32)
    sources = jax.random.randint(k_s, (N_EDGES,), 0, N_NODES, dtype=jnp.int64)
    targets = jax.random.randint(k_t, (N_EDGES,), 0, N_NODES, dtype=jnp.int64)
    norm = jax.random.uniform(k_n, (N_NODES, 1), dtype=jnp.float32)
    # xavier_normal_ for [CHANNELS, CHANNELS]: std = sqrt(2 / (fan_in + fan_out))
    std = float(np.sqrt(2.0 / (CHANNELS + CHANNELS)))
    weight = jax.random.normal(k_w, (CHANNELS, CHANNELS), dtype=jnp.float32) * std
    return {"x": x, "sources": sources, "targets": targets, "norm": norm, "weight": weight}

def reference(x, sources, targets, norm, weight):
    # x.index_add(0, targets, x[sources]) -> out-of-place scatter-add onto a copy of x
    gathered = jnp.take(x, sources, axis=0)            # gather: [E, C]
    agg = x.at[targets].add(gathered)                  # scatter-add: [N, C]
    h = norm * agg                                     # broadcast [N,1] * [N,C]
    return h @ weight                                  # [N, C] @ [C, C]

if __name__ == "__main__":
    import jax
    _d = setup_inputs()
    print(jax.jit(kernel)(*tuple(_d.values())))

</pallas_src>

<mosaic_0001>
#map = affine_map<(d0, d1) -> (0, 0)>
module attributes {stable_mosaic.version = 14 : i64} {
  func.func @k(%arg0: i32, %arg1: i32, %arg2: memref<10000x256xf32, #tpu.memory_space<hbm>>, %arg3: memref<2000x80xi32, #tpu.memory_space<hbm>>, %arg4: memref<2000x80xi32, #tpu.memory_space<hbm>>, %arg5: memref<10000x256xf32, #tpu.memory_space<hbm>>, %arg6: memref<125x80xi32, #tpu.memory_space<vmem>>, %arg7: memref<125x80xi32, #tpu.memory_space<vmem>>, %arg8: memref<5x80x64xf32, #tpu.memory_space<vmem>>, %arg9: memref<10000x64xf32, #tpu.memory_space<vmem_shared>>, %arg10: memref<10000x64xf32, #tpu.memory_space<vmem_shared>>, %arg11: memref<!tpu.dma_semaphore, #tpu.memory_space<semaphore_mem>>, %arg12: memref<!tpu.dma_semaphore, #tpu.memory_space<semaphore_mem>>, %arg13: memref<!tpu.dma_semaphore, #tpu.memory_space<semaphore_mem>>, %arg14: memref<!tpu.dma_semaphore, #tpu.memory_space<semaphore_mem>>, %arg15: memref<!tpu.dma_semaphore, #tpu.memory_space<semaphore_mem>>) attributes {dimension_semantics = [#tpu.dimension_semantics<core_parallel>, #tpu.dimension_semantics<subcore_parallel>], iteration_bounds = array<i64: 2, 16>, scalar_prefetch = 0 : i64, scratch_operands = 10 : i64, tpu.core_type = #tpu.core_type<sc_vector_subcore>, window_params = [{transform_indices = #map}, {transform_indices = #map}, {transform_indices = #map}, {transform_indices = #map}]} {
    %mul3A = arith.constant 625 : i32
    %mul3A_0 = arith.muli %arg1, %mul3A : i32
    %mul3A_1 = arith.constant 125 : i32
    %mul3A_2 = arith.muli %arg1, %mul3A_1 : i32
    "tpu.region"() ({
      %run_scoped3A = tpu.sem_alloc : memref<!tpu.dma_semaphore, #tpu.memory_space<semaphore_mem>>
      %dma_start3A = arith.constant 0 : i32
      %dma_start3A_28 = tpu.memref_slice %arg3[%mul3A_2, %dma_start3A] : memref<2000x80xi32, #tpu.memory_space<hbm>> -> memref<125x80xi32, #tpu.memory_space<hbm>>
      %dma_start3A_29 = arith.constant 0 : i32
      %dma_start3A_30 = tpu.memref_slice %arg3[%mul3A_2, %dma_start3A_29] : memref<2000x80xi32, #tpu.memory_space<hbm>> -> memref<125x80xi32, #tpu.memory_space<hbm>>
      tpu.enqueue_dma source(%dma_start3A_30 : memref<125x80xi32, #tpu.memory_space<hbm>>) target(%arg6 : memref<125x80xi32, #tpu.memory_space<vmem>>) target_semaphore(%run_scoped3A : memref<!tpu.dma_semaphore, #tpu.memory_space<semaphore_mem>>)
      %dma_wait3A = arith.constant 0 : i32
      %dma_wait3A_31 = tpu.memref_slice %arg3[%mul3A_2, %dma_wait3A] : memref<2000x80xi32, #tpu.memory_space<hbm>> -> memref<125x80xi32, #tpu.memory_space<hbm>>
      %dma_wait3A_32 = arith.constant 0 : i32
      %dma_wait3A_33 = tpu.memref_slice %arg3[%mul3A_2, %dma_wait3A_32] : memref<2000x80xi32, #tpu.memory_space<hbm>> -> memref<125x80xi32, #tpu.memory_space<hbm>>
      tpu.wait_dma2 semaphore(%run_scoped3A : memref<!tpu.dma_semaphore, #tpu.memory_space<semaphore_mem>>) src(%dma_wait3A_33 : memref<125x80xi32, #tpu.memory_space<hbm>>) dst(%arg6 : memref<125x80xi32, #tpu.memory_space<vmem>>)
      tpu.yield
    }) : () -> ()
    "tpu.region"() ({
      %run_scoped3A = tpu.sem_alloc : memref<!tpu.dma_semaphore, #tpu.memory_space<semaphore_mem>>
      %dma_start3A = arith.constant 0 : i32
      %dma_start3A_28 = tpu.memref_slice %arg4[%mul3A_2, %dma_start3A] : memref<2000x80xi32, #tpu.memory_space<hbm>> -> memref<125x80xi32, #tpu.memory_space<hbm>>
      %dma_start3A_29 = arith.constant 0 : i32
      %dma_start3A_30 = tpu.memref_slice %arg4[%mul3A_2, %dma_start3A_29] : memref<2000x80xi32, #tpu.memory_space<hbm>> -> memref<125x80xi32, #tpu.memory_space<hbm>>
      tpu.enqueue_dma source(%dma_start3A_30 : memref<125x80xi32, #tpu.memory_space<hbm>>) target(%arg7 : memref<125x80xi32, #tpu.memory_space<vmem>>) target_semaphore(%run_scoped3A : memref<!tpu.dma_semaphore, #tpu.memory_space<semaphore_mem>>)
      %dma_wait3A = arith.constant 0 : i32
      %dma_wait3A_31 = tpu.memref_slice %arg4[%mul3A_2, %dma_wait3A] : memref<2000x80xi32, #tpu.memory_space<hbm>> -> memref<125x80xi32, #tpu.memory_space<hbm>>
      %dma_wait3A_32 = arith.constant 0 : i32
      %dma_wait3A_33 = tpu.memref_slice %arg4[%mul3A_2, %dma_wait3A_32] : memref<2000x80xi32, #tpu.memory_space<hbm>> -> memref<125x80xi32, #tpu.memory_space<hbm>>
      tpu.wait_dma2 semaphore(%run_scoped3A : memref<!tpu.dma_semaphore, #tpu.memory_space<semaphore_mem>>) src(%dma_wait3A_33 : memref<125x80xi32, #tpu.memory_space<hbm>>) dst(%arg7 : memref<125x80xi32, #tpu.memory_space<vmem>>)
      tpu.yield
    }) : () -> ()
    %mul3A_3 = arith.constant 2 : i32
    %mul3A_4 = arith.muli %arg0, %mul3A_3 : i32
    %add3A = arith.constant 0 : i32
    %add3A_5 = arith.addi %mul3A_4, %add3A : i32
    %mul3A_6 = arith.constant 64 : i32
    %mul3A_7 = arith.muli %add3A_5, %mul3A_6 : i32
    "tpu.region"() ({
      %run_scoped3A = tpu.sem_alloc : memref<!tpu.dma_semaphore, #tpu.memory_space<semaphore_mem>>
      %dma_start3A = arith.constant 0 : i32
      %dma_start3A_28 = tpu.memref_slice %arg9[%mul3A_0, %dma_start3A] : memref<10000x64xf32, #tpu.memory_space<vmem_shared>> -> memref<625x64xf32, #tpu.memory_space<vmem_shared>>
      %dma_start3A_29 = tpu.memref_slice %arg2[%mul3A_0, %mul3A_7] : memref<10000x256xf32, #tpu.memory_space<hbm>> -> memref<625x64xf32, #tpu.memory_space<hbm>>
      tpu.enqueue_dma source(%dma_start3A_29 : memref<625x64xf32, #tpu.memory_space<hbm>>) target(%dma_start3A_28 : memref<625x64xf32, #tpu.memory_space<vmem_shared>>) target_semaphore(%run_scoped3A : memref<!tpu.dma_semaphore, #tpu.memory_space<semaphore_mem>>)
      %dma_wait3A = arith.constant 0 : i32
      %dma_wait3A_30 = tpu.memref_slice %arg9[%mul3A_0, %dma_wait3A] : memref<10000x64xf32, #tpu.memory_space<vmem_shared>> -> memref<625x64xf32, #tpu.memory_space<vmem_shared>>
      %dma_wait3A_31 = tpu.memref_slice %arg2[%mul3A_0, %mul3A_7] : memref<10000x256xf32, #tpu.memory_space<hbm>> -> memref<625x64xf32, #tpu.memory_space<hbm>>
      tpu.wait_dma2 semaphore(%run_scoped3A : memref<!tpu.dma_semaphore, #tpu.memory_space<semaphore_mem>>) src(%dma_wait3A_31 : memref<625x64xf32, #tpu.memory_space<hbm>>) dst(%dma_wait3A_30 : memref<625x64xf32, #tpu.memory_space<vmem_shared>>)
      tpu.yield
    }) : () -> ()
    "tpu.region"() ({
      %run_scoped3A = tpu.sem_alloc : memref<!tpu.dma_semaphore, #tpu.memory_space<semaphore_mem>>
      %dma_start3A = arith.constant 0 : i32
      %dma_start3A_28 = tpu.memref_slice %arg10[%mul3A_0, %dma_start3A] : memref<10000x64xf32, #tpu.memory_space<vmem_shared>> -> memref<625x64xf32, #tpu.memory_space<vmem_shared>>
      %dma_start3A_29 = tpu.memref_slice %arg2[%mul3A_0, %mul3A_7] : memref<10000x256xf32, #tpu.memory_space<hbm>> -> memref<625x64xf32, #tpu.memory_space<hbm>>
      tpu.enqueue_dma source(%dma_start3A_29 : memref<625x64xf32, #tpu.memory_space<hbm>>) target(%dma_start3A_28 : memref<625x64xf32, #tpu.memory_space<vmem_shared>>) target_semaphore(%run_scoped3A : memref<!tpu.dma_semaphore, #tpu.memory_space<semaphore_mem>>)
      %dma_wait3A = arith.constant 0 : i32
      %dma_wait3A_30 = tpu.memref_slice %arg10[%mul3A_0, %dma_wait3A] : memref<10000x64xf32, #tpu.memory_space<vmem_shared>> -> memref<625x64xf32, #tpu.memory_space<vmem_shared>>
      %dma_wait3A_31 = tpu.memref_slice %arg2[%mul3A_0, %mul3A_7] : memref<10000x256xf32, #tpu.memory_space<hbm>> -> memref<625x64xf32, #tpu.memory_space<hbm>>
      tpu.wait_dma2 semaphore(%run_scoped3A : memref<!tpu.dma_semaphore, #tpu.memory_space<semaphore_mem>>) src(%dma_wait3A_31 : memref<625x64xf32, #tpu.memory_space<hbm>>) dst(%dma_wait3A_30 : memref<625x64xf32, #tpu.memory_space<vmem_shared>>)
      tpu.yield
    }) : () -> ()
    %barrier3A = arith.constant 0 : index
    tpu.barrier barrier_id(%barrier3A)
    %scan3A = arith.constant 0 : i32
    %scan3A_8 = arith.constant 25 : i32
    %scan3A_9 = arith.addi %scan3A, %scan3A_8 : i32
    %scan3A_10 = arith.constant 1 : i32
    scf.for %scan3A_28 = %scan3A to %scan3A_9 step %scan3A_10  : i32 {
      %mul3A_29 = arith.constant 1 : i32
      %mul3A_30 = arith.muli %scan3A_28, %mul3A_29 : i32
      %add3A_31 = arith.constant 0 : i32
      %add3A_32 = arith.addi %add3A_31, %mul3A_30 : i32
      %mul3A_33 = arith.constant 5 : i32
      %mul3A_34 = arith.muli %add3A_32, %mul3A_33 : i32
      %add3A_35 = arith.constant 0 : i32
      %add3A_36 = arith.addi %mul3A_34, %add3A_35 : i32
      %dma_start3A = arith.constant 0 : i32
      %dma_start3A_37 = arith.constant 0 : i32
      %dma_start3A_38 = arith.constant 0 : i32
      %dma_start3A_39 = tpu.memref_slice %arg8[%dma_start3A, %dma_start3A_37, %dma_start3A_38] : memref<5x80x64xf32, #tpu.memory_space<vmem>> -> memref<1x80x64xf32, #tpu.memory_space<vmem>>
      %dma_start3A_40 = tpu.memref_squeeze %dma_start3A_39 : memref<1x80x64xf32, #tpu.memory_space<vmem>> -> memref<80x64xf32, #tpu.memory_space<vmem>>
      %dma_start3A_41 = arith.constant 0 : i32
      %dma_start3A_42 = tpu.memref_slice %arg6[%add3A_36, %dma_start3A_41] : memref<125x80xi32, #tpu.memory_space<vmem>> -> memref<1x80xi32, #tpu.memory_space<vmem>>
      %dma_start3A_43 = tpu.memref_squeeze %dma_start3A_42 : memref<1x80xi32, #tpu.memory_space<vmem>> -> memref<80xi32, #tpu.memory_space<vmem>>
      %dma_start3A_44 = arith.constant 0 : i32
      %dma_start3A_45 = arith.constant 0 : i32
      %dma_start3A_46 = tpu.memref_slice %arg9[%dma_start3A_44, %dma_start3A_45] : memref<10000x64xf32, #tpu.memory_space<vmem_shared>> -> memref<10000x64xf32, #tpu.memory_space<vmem_shared>>
      tpu.enqueue_indirect_dma source(%dma_start3A_46 : memref<10000x64xf32, #tpu.memory_space<vmem_shared>>) target(%dma_start3A_40 : memref<80x64xf32, #tpu.memory_space<vmem>>) offsets(%dma_start3A_43 : memref<80xi32, #tpu.memory_space<vmem>>) semaphore(%arg11 : memref<!tpu.dma_semaphore, #tpu.memory_space<semaphore_mem>>)
      %mul3A_47 = arith.constant 5 : i32
      %mul3A_48 = arith.muli %add3A_32, %mul3A_47 : i32
      %add3A_49 = arith.constant 1 : i32
      %add3A_50 = arith.addi %mul3A_48, %add3A_49 : i32
      %dma_start3A_51 = arith.constant 1 : i32
      %dma_start3A_52 = arith.constant 0 : i32
      %dma_start3A_53 = arith.constant 0 : i32
      %dma_start3A_54 = tpu.memref_slice %arg8[%dma_start3A_51, %dma_start3A_52, %dma_start3A_53] : memref<5x80x64xf32, #tpu.memory_space<vmem>> -> memref<1x80x64xf32, #tpu.memory_space<vmem>>
      %dma_start3A_55 = tpu.memref_squeeze %dma_start3A_54 : memref<1x80x64xf32, #tpu.memory_space<vmem>> -> memref<80x64xf32, #tpu.memory_space<vmem>>
      %dma_start3A_56 = arith.constant 0 : i32
      %dma_start3A_57 = tpu.memref_slice %arg6[%add3A_50, %dma_start3A_56] : memref<125x80xi32, #tpu.memory_space<vmem>> -> memref<1x80xi32, #tpu.memory_space<vmem>>
      %dma_start3A_58 = tpu.memref_squeeze %dma_start3A_57 : memref<1x80xi32, #tpu.memory_space<vmem>> -> memref<80xi32, #tpu.memory_space<vmem>>
      %dma_start3A_59 = arith.constant 0 : i32
      %dma_start3A_60 = arith.constant 0 : i32
      %dma_start3A_61 = tpu.memref_slice %arg9[%dma_start3A_59, %dma_start3A_60] : memref<10000x64xf32, #tpu.memory_space<vmem_shared>> -> memref<10000x64xf32, #tpu.memory_space<vmem_shared>>
      tpu.enqueue_indirect_dma source(%dma_start3A_61 : memref<10000x64xf32, #tpu.memory_space<vmem_shared>>) target(%dma_start3A_55 : memref<80x64xf32, #tpu.memory_space<vmem>>) offsets(%dma_start3A_58 : memref<80xi32, #tpu.memory_space<vmem>>) semaphore(%arg12 : memref<!tpu.dma_semaphore, #tpu.memory_space<semaphore_mem>>)
      %mul3A_62 = arith.constant 5 : i32
      %mul3A_63 = arith.muli %add3A_32, %mul3A_62 : i32
      %add3A_64 = arith.constant 2 : i32
      %add3A_65 = arith.addi %mul3A_63, %add3A_64 : i32
      %dma_start3A_66 = arith.constant 2 : i32
      %dma_start3A_67 = arith.constant 0 : i32
      %dma_start3A_68 = arith.constant 0 : i32
      %dma_start3A_69 = tpu.memref_slice %arg8[%dma_start3A_66, %dma_start3A_67, %dma_start3A_68] : memref<5x80x64xf32, #tpu.memory_space<vmem>> -> memref<1x80x64xf32, #tpu.memory_space<vmem>>
      %dma_start3A_70 = tpu.memref_squeeze %dma_start3A_69 : memref<1x80x64xf32, #tpu.memory_space<vmem>> -> memref<80x64xf32, #tpu.memory_space<vmem>>
      %dma_start3A_71 = arith.constant 0 : i32
      %dma_start3A_72 = tpu.memref_slice %arg6[%add3A_65, %dma_start3A_71] : memref<125x80xi32, #tpu.memory_space<vmem>> -> memref<1x80xi32, #tpu.memory_space<vmem>>
      %dma_start3A_73 = tpu.memref_squeeze %dma_start3A_72 : memref<1x80xi32, #tpu.memory_space<vmem>> -> memref<80xi32, #tpu.memory_space<vmem>>
      %dma_start3A_74 = arith.constant 0 : i32
      %dma_start3A_75 = arith.constant 0 : i32
      %dma_start3A_76 = tpu.memref_slice %arg9[%dma_start3A_74, %dma_start3A_75] : memref<10000x64xf32, #tpu.memory_space<vmem_shared>> -> memref<10000x64xf32, #tpu.memory_space<vmem_shared>>
      tpu.enqueue_indirect_dma source(%dma_start3A_76 : memref<10000x64xf32, #tpu.memory_space<vmem_shared>>) target(%dma_start3A_70 : memref<80x64xf32, #tpu.memory_space<vmem>>) offsets(%dma_start3A_73 : memref<80xi32, #tpu.memory_space<vmem>>) semaphore(%arg13 : memref<!tpu.dma_semaphore, #tpu.memory_space<semaphore_mem>>)
      %mul3A_77 = arith.constant 5 : i32
      %mul3A_78 = arith.muli %add3A_32, %mul3A_77 : i32
      %add3A_79 = arith.constant 3 : i32
      %add3A_80 = arith.addi %mul3A_78, %add3A_79 : i32
      %dma_start3A_81 = arith.constant 3 : i32
      %dma_start3A_82 = arith.constant 0 : i32
      %dma_start3A_83 = arith.constant 0 : i32
      %dma_start3A_84 = tpu.memref_slice %arg8[%dma_start3A_81, %dma_start3A_82, %dma_start3A_83] : memref<5x80x64xf32, #tpu.memory_space<vmem>> -> memref<1x80x64xf32, #tpu.memory_space<vmem>>
      %dma_start3A_85 = tpu.memref_squeeze %dma_start3A_84 : memref<1x80x64xf32, #tpu.memory_space<vmem>> -> memref<80x64xf32, #tpu.memory_space<vmem>>
      %dma_start3A_86 = arith.constant 0 : i32
      %dma_start3A_87 = tpu.memref_slice %arg6[%add3A_80, %dma_start3A_86] : memref<125x80xi32, #tpu.memory_space<vmem>> -> memref<1x80xi32, #tpu.memory_space<vmem>>
      %dma_start3A_88 = tpu.memref_squeeze %dma_start3A_87 : memref<1x80xi32, #tpu.memory_space<vmem>> -> memref<80xi32, #tpu.memory_space<vmem>>
      %dma_start3A_89 = arith.constant 0 : i32
      %dma_start3A_90 = arith.constant 0 : i32
      %dma_start3A_91 = tpu.memref_slice %arg9[%dma_start3A_89, %dma_start3A_90] : memref<10000x64xf32, #tpu.memory_space<vmem_shared>> -> memref<10000x64xf32, #tpu.memory_space<vmem_shared>>
      tpu.enqueue_indirect_dma source(%dma_start3A_91 : memref<10000x64xf32, #tpu.memory_space<vmem_shared>>) target(%dma_start3A_85 : memref<80x64xf32, #tpu.memory_space<vmem>>) offsets(%dma_start3A_88 : memref<80xi32, #tpu.memory_space<vmem>>) semaphore(%arg14 : memref<!tpu.dma_semaphore, #tpu.memory_space<semaphore_mem>>)
      %mul3A_92 = arith.constant 5 : i32
      %mul3A_93 = arith.muli %add3A_32, %mul3A_92 : i32
      %add3A_94 = arith.constant 4 : i32
      %add3A_95 = arith.addi %mul3A_93, %add3A_94 : i32
      %dma_start3A_96 = arith.constant 4 : i32
      %dma_start3A_97 = arith.constant 0 : i32
      %dma_start3A_98 = arith.constant 0 : i32
      %dma_start3A_99 = tpu.memref_slice %arg8[%dma_start3A_96, %dma_start3A_97, %dma_start3A_98] : memref<5x80x64xf32, #tpu.memory_space<vmem>> -> memref<1x80x64xf32, #tpu.memory_space<vmem>>
      %dma_start3A_100 = tpu.memref_squeeze %dma_start3A_99 : memref<1x80x64xf32, #tpu.memory_space<vmem>> -> memref<80x64xf32, #tpu.memory_space<vmem>>
      %dma_start3A_101 = arith.constant 0 : i32
      %dma_start3A_102 = tpu.memref_slice %arg6[%add3A_95, %dma_start3A_101] : memref<125x80xi32, #tpu.memory_space<vmem>> -> memref<1x80xi32, #tpu.memory_space<vmem>>
      %dma_start3A_103 = tpu.memref_squeeze %dma_start3A_102 : memref<1x80xi32, #tpu.memory_space<vmem>> -> memref<80xi32, #tpu.memory_space<vmem>>
      %dma_start3A_104 = arith.constant 0 : i32
      %dma_start3A_105 = arith.constant 0 : i32
      %dma_start3A_106 = tpu.memref_slice %arg9[%dma_start3A_104, %dma_start3A_105] : memref<10000x64xf32, #tpu.memory_space<vmem_shared>> -> memref<10000x64xf32, #tpu.memory_space<vmem_shared>>
      tpu.enqueue_indirect_dma source(%dma_start3A_106 : memref<10000x64xf32, #tpu.memory_space<vmem_shared>>) target(%dma_start3A_100 : memref<80x64xf32, #tpu.memory_space<vmem>>) offsets(%dma_start3A_103 : memref<80xi32, #tpu.memory_space<vmem>>) semaphore(%arg15 : memref<!tpu.dma_semaphore, #tpu.memory_space<semaphore_mem>>)
      %mul3A_107 = arith.constant 5 : i32
      %mul3A_108 = arith.muli %add3A_32, %mul3A_107 : i32
      %add3A_109 = arith.constant 0 : i32
      %add3A_110 = arith.addi %mul3A_108, %add3A_109 : i32
      %dma_wait3A = arith.constant 0 : i32
      %dma_wait3A_111 = arith.constant 0 : i32
      %dma_wait3A_112 = arith.constant 0 : i32
      %dma_wait3A_113 = tpu.memref_slice %arg8[%dma_wait3A, %dma_wait3A_111, %dma_wait3A_112] : memref<5x80x64xf32, #tpu.memory_space<vmem>> -> memref<1x80x64xf32, #tpu.memory_space<vmem>>
      %dma_wait3A_114 = tpu.memref_squeeze %dma_wait3A_113 : memref<1x80x64xf32, #tpu.memory_space<vmem>> -> memref<80x64xf32, #tpu.memory_space<vmem>>
      %dma_wait3A_115 = arith.constant 0 : i32
      %dma_wait3A_116 = tpu.memref_slice %arg6[%add3A_110, %dma_wait3A_115] : memref<125x80xi32, #tpu.memory_space<vmem>> -> memref<1x80xi32, #tpu.memory_space<vmem>>
      %dma_wait3A_117 = tpu.memref_squeeze %dma_wait3A_116 : memref<1x80xi32, #tpu.memory_space<vmem>> -> memref<80xi32, #tpu.memory_space<vmem>>
      %dma_wait3A_118 = arith.constant 0 : i32
      %dma_wait3A_119 = arith.constant 0 : i32
      %dma_wait3A_120 = tpu.memref_slice %arg9[%dma_wait3A_118, %dma_wait3A_119] : memref<10000x64xf32, #tpu.memory_space<vmem_shared>> -> memref<10000x64xf32, #tpu.memory_space<vmem_shared>>
      tpu.wait_indirect_dma semaphore(%arg11 : memref<!tpu.dma_semaphore, #tpu.memory_space<semaphore_mem>>) src(%dma_wait3A_120 : memref<10000x64xf32, #tpu.memory_space<vmem_shared>>) dst(%dma_wait3A_114 : memref<80x64xf32, #tpu.memory_space<vmem>>)
      %mul3A_121 = arith.constant 5 : i32
      %mul3A_122 = arith.muli %add3A_32, %mul3A_121 : i32
      %add3A_123 = arith.constant 0 : i32
      %add3A_124 = arith.addi %mul3A_122, %add3A_123 : i32
      %run_scoped3A = arith.constant 0 : i32
      "tpu.region"() ({
        %run_scoped3A_205 = tpu.sem_alloc : memref<!tpu.dma_semaphore, #tpu.memory_space<semaphore_mem>>
        %dma_start3A_206 = arith.constant 0 : i32
        %dma_start3A_207 = arith.constant 0 : i32
        %dma_start3A_208 = tpu.memref_slice %arg8[%run_scoped3A, %dma_start3A_206, %dma_start3A_207] : memref<5x80x64xf32, #tpu.memory_space<vmem>> -> memref<1x80x64xf32, #tpu.memory_space<vmem>>
        %dma_start3A_209 = tpu.memref_squeeze %dma_start3A_208 : memref<1x80x64xf32, #tpu.memory_space<vmem>> -> memref<80x64xf32, #tpu.memory_space<vmem>>
        %dma_start3A_210 = arith.constant 0 : i32
        %dma_start3A_211 = tpu.memref_slice %arg7[%add3A_124, %dma_start3A_210] : memref<125x80xi32, #tpu.memory_space<vmem>> -> memref<1x80xi32, #tpu.memory_space<vmem>>
        %dma_start3A_212 = tpu.memref_squeeze %dma_start3A_211 : memref<1x80xi32, #tpu.memory_space<vmem>> -> memref<80xi32, #tpu.memory_space<vmem>>
        %dma_start3A_213 = arith.constant 0 : i32
        %dma_start3A_214 = arith.constant 0 : i32
        %dma_start3A_215 = tpu.memref_slice %arg10[%dma_start3A_213, %dma_start3A_214] : memref<10000x64xf32, #tpu.memory_space<vmem_shared>> -> memref<10000x64xf32, #tpu.memory_space<vmem_shared>>
        tpu.enqueue_indirect_dma source(%dma_start3A_209 : memref<80x64xf32, #tpu.memory_space<vmem>>) target(%dma_start3A_215 : memref<10000x64xf32, #tpu.memory_space<vmem_shared>>) offsets(%dma_start3A_212 : memref<80xi32, #tpu.memory_space<vmem>>) semaphore(%run_scoped3A_205 : memref<!tpu.dma_semaphore, #tpu.memory_space<semaphore_mem>>) {add = true}
        %dma_wait3A_216 = arith.constant 0 : i32
        %dma_wait3A_217 = arith.constant 0 : i32
        %dma_wait3A_218 = tpu.memref_slice %arg8[%run_scoped3A, %dma_wait3A_216, %dma_wait3A_217] : memref<5x80x64xf32, #tpu.memory_space<vmem>> -> memref<1x80x64xf32, #tpu.memory_space<vmem>>
        %dma_wait3A_219 = tpu.memref_squeeze %dma_wait3A_218 : memref<1x80x64xf32, #tpu.memory_space<vmem>> -> memref<80x64xf32, #tpu.memory_space<vmem>>
        %dma_wait3A_220 = arith.constant 0 : i32
        %dma_wait3A_221 = tpu.memref_slice %arg7[%add3A_124, %dma_wait3A_220] : memref<125x80xi32, #tpu.memory_space<vmem>> -> memref<1x80xi32, #tpu.memory_space<vmem>>
        %dma_wait3A_222 = tpu.memref_squeeze %dma_wait3A_221 : memref<1x80xi32, #tpu.memory_space<vmem>> -> memref<80xi32, #tpu.memory_space<vmem>>
        %dma_wait3A_223 = arith.constant 0 : i32
        %dma_wait3A_224 = arith.constant 0 : i32
        %dma_wait3A_225 = tpu.memref_slice %arg10[%dma_wait3A_223, %dma_wait3A_224] : memref<10000x64xf32, #tpu.memory_space<vmem_shared>> -> memref<10000x64xf32, #tpu.memory_space<vmem_shared>>
        tpu.wait_indirect_dma semaphore(%run_scoped3A_205 : memref<!tpu.dma_semaphore, #tpu.memory_space<semaphore_mem>>) src(%dma_wait3A_219 : memref<80x64xf32, #tpu.memory_space<vmem>>) dst(%dma_wait3A_225 : memref<10000x64xf32, #tpu.memory_space<vmem_shared>>)
        tpu.yield
      }) : () -> ()
      %mul3A_125 = arith.constant 5 : i32
      %mul3A_126 = arith.muli %add3A_32, %mul3A_125 : i32
      %add3A_127 = arith.constant 1 : i32
      %add3A_128 = arith.addi %mul3A_126, %add3A_127 : i32
      %dma_wait3A_129 = arith.constant 1 : i32
      %dma_wait3A_130 = arith.constant 0 : i32
      %dma_wait3A_131 = arith.constant 0 : i32
      %dma_wait3A_132 = tpu.memref_slice %arg8[%dma_wait3A_129, %dma_wait3A_130, %dma_wait3A_131] : memref<5x80x64xf32, #tpu.memory_space<vmem>> -> memref<1x80x64xf32, #tpu.memory_space<vmem>>
      %dma_wait3A_133 = tpu.memref_squeeze %dma_wait3A_132 : memref<1x80x64xf32, #tpu.memory_space<vmem>> -> memref<80x64xf32, #tpu.memory_space<vmem>>
      %dma_wait3A_134 = arith.constant 0 : i32
      %dma_wait3A_135 = tpu.memref_slice %arg6[%add3A_128, %dma_wait3A_134] : memref<125x80xi32, #tpu.memory_space<vmem>> -> memref<1x80xi32, #tpu.memory_space<vmem>>
      %dma_wait3A_136 = tpu.memref_squeeze %dma_wait3A_135 : memref<1x80xi32, #tpu.memory_space<vmem>> -> memref<80xi32, #tpu.memory_space<vmem>>
      %dma_wait3A_137 = arith.constant 0 : i32
      %dma_wait3A_138 = arith.constant 0 : i32
      %dma_wait3A_139 = tpu.memref_slice %arg9[%dma_wait3A_137, %dma_wait3A_138] : memref<10000x64xf32, #tpu.memory_space<vmem_shared>> -> memref<10000x64xf32, #tpu.memory_space<vmem_shared>>
      tpu.wait_indirect_dma semaphore(%arg12 : memref<!tpu.dma_semaphore, #tpu.memory_space<semaphore_mem>>) src(%dma_wait3A_139 : memref<10000x64xf32, #tpu.memory_space<vmem_shared>>) dst(%dma_wait3A_133 : memref<80x64xf32, #tpu.memory_space<vmem>>)
      %mul3A_140 = arith.constant 5 : i32
      %mul3A_141 = arith.muli %add3A_32, %mul3A_140 : i32
      %add3A_142 = arith.constant 1 : i32
      %add3A_143 = arith.addi %mul3A_141, %add3A_142 : i32
      %run_scoped3A_144 = arith.constant 1 : i32
      "tpu.region"() ({
        %run_scoped3A_205 = tpu.sem_alloc : memref<!tpu.dma_semaphore, #tpu.memory_space<semaphore_mem>>
        %dma_start3A_206 = arith.constant 0 : i32
        %dma_start3A_207 = arith.constant 0 : i32
        %dma_start3A_208 = tpu.memref_slice %arg8[%run_scoped3A_144, %dma_start3A_206, %dma_start3A_207] : memref<5x80x64xf32, #tpu.memory_space<vmem>> -> memref<1x80x64xf32, #tpu.memory_space<vmem>>
        %dma_start3A_209 = tpu.memref_squeeze %dma_start3A_208 : memref<1x80x64xf32, #tpu.memory_space<vmem>> -> memref<80x64xf32, #tpu.memory_space<vmem>>
        %dma_start3A_210 = arith.constant 0 : i32
        %dma_start3A_211 = tpu.memref_slice %arg7[%add3A_143, %dma_start3A_210] : memref<125x80xi32, #tpu.memory_space<vmem>> -> memref<1x80xi32, #tpu.memory_space<vmem>>
        %dma_start3A_212 = tpu.memref_squeeze %dma_start3A_211 : memref<1x80xi32, #tpu.memory_space<vmem>> -> memref<80xi32, #tpu.memory_space<vmem>>
        %dma_start3A_213 = arith.constant 0 : i32
        %dma_start3A_214 = arith.constant 0 : i32
        %dma_start3A_215 = tpu.memref_slice %arg10[%dma_start3A_213, %dma_start3A_214] : memref<10000x64xf32, #tpu.memory_space<vmem_shared>> -> memref<10000x64xf32, #tpu.memory_space<vmem_shared>>
        tpu.enqueue_indirect_dma source(%dma_start3A_209 : memref<80x64xf32, #tpu.memory_space<vmem>>) target(%dma_start3A_215 : memref<10000x64xf32, #tpu.memory_space<vmem_shared>>) offsets(%dma_start3A_212 : memref<80xi32, #tpu.memory_space<vmem>>) semaphore(%run_scoped3A_205 : memref<!tpu.dma_semaphore, #tpu.memory_space<semaphore_mem>>) {add = true}
        %dma_wait3A_216 = arith.constant 0 : i32
        %dma_wait3A_217 = arith.constant 0 : i32
        %dma_wait3A_218 = tpu.memref_slice %arg8[%run_scoped3A_144, %dma_wait3A_216, %dma_wait3A_217] : memref<5x80x64xf32, #tpu.memory_space<vmem>> -> memref<1x80x64xf32, #tpu.memory_space<vmem>>
        %dma_wait3A_219 = tpu.memref_squeeze %dma_wait3A_218 : memref<1x80x64xf32, #tpu.memory_space<vmem>> -> memref<80x64xf32, #tpu.memory_space<vmem>>
        %dma_wait3A_220 = arith.constant 0 : i32
        %dma_wait3A_221 = tpu.memref_slice %arg7[%add3A_143, %dma_wait3A_220] : memref<125x80xi32, #tpu.memory_space<vmem>> -> memref<1x80xi32, #tpu.memory_space<vmem>>
        %dma_wait3A_222 = tpu.memref_squeeze %dma_wait3A_221 : memref<1x80xi32, #tpu.memory_space<vmem>> -> memref<80xi32, #tpu.memory_space<vmem>>
        %dma_wait3A_223 = arith.constant 0 : i32
        %dma_wait3A_224 = arith.constant 0 : i32
        %dma_wait3A_225 = tpu.memref_slice %arg10[%dma_wait3A_223, %dma_wait3A_224] : memref<10000x64xf32, #tpu.memory_space<vmem_shared>> -> memref<10000x64xf32, #tpu.memory_space<vmem_shared>>
        tpu.wait_indirect_dma semaphore(%run_scoped3A_205 : memref<!tpu.dma_semaphore, #tpu.memory_space<semaphore_mem>>) src(%dma_wait3A_219 : memref<80x64xf32, #tpu.memory_space<vmem>>) dst(%dma_wait3A_225 : memref<10000x64xf32, #tpu.memory_space<vmem_shared>>)
        tpu.yield
      }) : () -> ()
      %mul3A_145 = arith.constant 5 : i32
      %mul3A_146 = arith.muli %add3A_32, %mul3A_145 : i32
      %add3A_147 = arith.constant 2 : i32
      %add3A_148 = arith.addi %mul3A_146, %add3A_147 : i32
      %dma_wait3A_149 = arith.constant 2 : i32
      %dma_wait3A_150 = arith.constant 0 : i32
      %dma_wait3A_151 = arith.constant 0 : i32
      %dma_wait3A_152 = tpu.memref_slice %arg8[%dma_wait3A_149, %dma_wait3A_150, %dma_wait3A_151] : memref<5x80x64xf32, #tpu.memory_space<vmem>> -> memref<1x80x64xf32, #tpu.memory_space<vmem>>
      %dma_wait3A_153 = tpu.memref_squeeze %dma_wait3A_152 : memref<1x80x64xf32, #tpu.memory_space<vmem>> -> memref<80x64xf32, #tpu.memory_space<vmem>>
      %dma_wait3A_154 = arith.constant 0 : i32
      %dma_wait3A_155 = tpu.memref_slice %arg6[%add3A_148, %dma_wait3A_154] : memref<125x80xi32, #tpu.memory_space<vmem>> -> memref<1x80xi32, #tpu.memory_space<vmem>>
      %dma_wait3A_156 = tpu.memref_squeeze %dma_wait3A_155 : memref<1x80xi32, #tpu.memory_space<vmem>> -> memref<80xi32, #tpu.memory_space<vmem>>
      %dma_wait3A_157 = arith.constant 0 : i32
      %dma_wait3A_158 = arith.constant 0 : i32
      %dma_wait3A_159 = tpu.memref_slice %arg9[%dma_wait3A_157, %dma_wait3A_158] : memref<10000x64xf32, #tpu.memory_space<vmem_shared>> -> memref<10000x64xf32, #tpu.memory_space<vmem_shared>>
      tpu.wait_indirect_dma semaphore(%arg13 : memref<!tpu.dma_semaphore, #tpu.memory_space<semaphore_mem>>) src(%dma_wait3A_159 : memref<10000x64xf32, #tpu.memory_space<vmem_shared>>) dst(%dma_wait3A_153 : memref<80x64xf32, #tpu.memory_space<vmem>>)
      %mul3A_160 = arith.constant 5 : i32
      %mul3A_161 = arith.muli %add3A_32, %mul3A_160 : i32
      %add3A_162 = arith.constant 2 : i32
      %add3A_163 = arith.addi %mul3A_161, %add3A_162 : i32
      %run_scoped3A_164 = arith.constant 2 : i32
      "tpu.region"() ({
        %run_scoped3A_205 = tpu.sem_alloc : memref<!tpu.dma_semaphore, #tpu.memory_space<semaphore_mem>>
        %dma_start3A_206 = arith.constant 0 : i32
        %dma_start3A_207 = arith.constant 0 : i32
        %dma_start3A_208 = tpu.memref_slice %arg8[%run_scoped3A_164, %dma_start3A_206, %dma_start3A_207] : memref<5x80x64xf32, #tpu.memory_space<vmem>> -> memref<1x80x64xf32, #tpu.memory_space<vmem>>
        %dma_start3A_209 = tpu.memref_squeeze %dma_start3A_208 : memref<1x80x64xf32, #tpu.memory_space<vmem>> -> memref<80x64xf32, #tpu.memory_space<vmem>>
        %dma_start3A_210 = arith.constant 0 : i32
        %dma_start3A_211 = tpu.memref_slice %arg7[%add3A_163, %dma_start3A_210] : memref<125x80xi32, #tpu.memory_space<vmem>> -> memref<1x80xi32, #tpu.memory_space<vmem>>
        %dma_start3A_212 = tpu.memref_squeeze %dma_start3A_211 : memref<1x80xi32, #tpu.memory_space<vmem>> -> memref<80xi32, #tpu.memory_space<vmem>>
        %dma_start3A_213 = arith.constant 0 : i32
        %dma_start3A_214 = arith.constant 0 : i32
        %dma_start3A_215 = tpu.memref_slice %arg10[%dma_start3A_213, %dma_start3A_214] : memref<10000x64xf32, #tpu.memory_space<vmem_shared>> -> memref<10000x64xf32, #tpu.memory_space<vmem_shared>>
        tpu.enqueue_indirect_dma source(%dma_start3A_209 : memref<80x64xf32, #tpu.memory_space<vmem>>) target(%dma_start3A_215 : memref<10000x64xf32, #tpu.memory_space<vmem_shared>>) offsets(%dma_start3A_212 : memref<80xi32, #tpu.memory_space<vmem>>) semaphore(%run_scoped3A_205 : memref<!tpu.dma_semaphore, #tpu.memory_space<semaphore_mem>>) {add = true}
        %dma_wait3A_216 = arith.constant 0 : i32
        %dma_wait3A_217 = arith.constant 0 : i32
        %dma_wait3A_218 = tpu.memref_slice %arg8[%run_scoped3A_164, %dma_wait3A_216, %dma_wait3A_217] : memref<5x80x64xf32, #tpu.memory_space<vmem>> -> memref<1x80x64xf32, #tpu.memory_space<vmem>>
        %dma_wait3A_219 = tpu.memref_squeeze %dma_wait3A_218 : memref<1x80x64xf32, #tpu.memory_space<vmem>> -> memref<80x64xf32, #tpu.memory_space<vmem>>
        %dma_wait3A_220 = arith.constant 0 : i32
        %dma_wait3A_221 = tpu.memref_slice %arg7[%add3A_163, %dma_wait3A_220] : memref<125x80xi32, #tpu.memory_space<vmem>> -> memref<1x80xi32, #tpu.memory_space<vmem>>
        %dma_wait3A_222 = tpu.memref_squeeze %dma_wait3A_221 : memref<1x80xi32, #tpu.memory_space<vmem>> -> memref<80xi32, #tpu.memory_space<vmem>>
        %dma_wait3A_223 = arith.constant 0 : i32
        %dma_wait3A_224 = arith.constant 0 : i32
        %dma_wait3A_225 = tpu.memref_slice %arg10[%dma_wait3A_223, %dma_wait3A_224] : memref<10000x64xf32, #tpu.memory_space<vmem_shared>> -> memref<10000x64xf32, #tpu.memory_space<vmem_shared>>
        tpu.wait_indirect_dma semaphore(%run_scoped3A_205 : memref<!tpu.dma_semaphore, #tpu.memory_space<semaphore_mem>>) src(%dma_wait3A_219 : memref<80x64xf32, #tpu.memory_space<vmem>>) dst(%dma_wait3A_225 : memref<10000x64xf32, #tpu.memory_space<vmem_shared>>)
        tpu.yield
      }) : () -> ()
      %mul3A_165 = arith.constant 5 : i32
      %mul3A_166 = arith.muli %add3A_32, %mul3A_165 : i32
      %add3A_167 = arith.constant 3 : i32
      %add3A_168 = arith.addi %mul3A_166, %add3A_167 : i32
      %dma_wait3A_169 = arith.constant 3 : i32
      %dma_wait3A_170 = arith.constant 0 : i32
      %dma_wait3A_171 = arith.constant 0 : i32
      %dma_wait3A_172 = tpu.memref_slice %arg8[%dma_wait3A_169, %dma_wait3A_170, %dma_wait3A_171] : memref<5x80x64xf32, #tpu.memory_space<vmem>> -> memref<1x80x64xf32, #tpu.memory_space<vmem>>
      %dma_wait3A_173 = tpu.memref_squeeze %dma_wait3A_172 : memref<1x80x64xf32, #tpu.memory_space<vmem>> -> memref<80x64xf32, #tpu.memory_space<vmem>>
      %dma_wait3A_174 = arith.constant 0 : i32
      %dma_wait3A_175 = tpu.memref_slice %arg6[%add3A_168, %dma_wait3A_174] : memref<125x80xi32, #tpu.memory_space<vmem>> -> memref<1x80xi32, #tpu.memory_space<vmem>>
      %dma_wait3A_176 = tpu.memref_squeeze %dma_wait3A_175 : memref<1x80xi32, #tpu.memory_space<vmem>> -> memref<80xi32, #tpu.memory_space<vmem>>
      %dma_wait3A_177 = arith.constant 0 : i32
      %dma_wait3A_178 = arith.constant 0 : i32
      %dma_wait3A_179 = tpu.memref_slice %arg9[%dma_wait3A_177, %dma_wait3A_178] : memref<10000x64xf32, #tpu.memory_space<vmem_shared>> -> memref<10000x64xf32, #tpu.memory_space<vmem_shared>>
      tpu.wait_indirect_dma semaphore(%arg14 : memref<!tpu.dma_semaphore, #tpu.memory_space<semaphore_mem>>) src(%dma_wait3A_179 : memref<10000x64xf32, #tpu.memory_space<vmem_shared>>) dst(%dma_wait3A_173 : memref<80x64xf32, #tpu.memory_space<vmem>>)
      %mul3A_180 = arith.constant 5 : i32
      %mul3A_181 = arith.muli %add3A_32, %mul3A_180 : i32
      %add3A_182 = arith.constant 3 : i32
      %add3A_183 = arith.addi %mul3A_181, %add3A_182 : i32
      %run_scoped3A_184 = arith.constant 3 : i32
      "tpu.region"() ({
        %run_scoped3A_205 = tpu.sem_alloc : memref<!tpu.dma_semaphore, #tpu.memory_space<semaphore_mem>>
        %dma_start3A_206 = arith.constant 0 : i32
        %dma_start3A_207 = arith.constant 0 : i32
        %dma_start3A_208 = tpu.memref_slice %arg8[%run_scoped3A_184, %dma_start3A_206, %dma_start3A_207] : memref<5x80x64xf32, #tpu.memory_space<vmem>> -> memref<1x80x64xf32, #tpu.memory_space<vmem>>
        %dma_start3A_209 = tpu.memref_squeeze %dma_start3A_208 : memref<1x80x64xf32, #tpu.memory_space<vmem>> -> memref<80x64xf32, #tpu.memory_space<vmem>>
        %dma_start3A_210 = arith.constant 0 : i32
        %dma_start3A_211 = tpu.memref_slice %arg7[%add3A_183, %dma_start3A_210] : memref<125x80xi32, #tpu.memory_space<vmem>> -> memref<1x80xi32, #tpu.memory_space<vmem>>
        %dma_start3A_212 = tpu.memref_squeeze %dma_start3A_211 : memref<1x80xi32, #tpu.memory_space<vmem>> -> memref<80xi32, #tpu.memory_space<vmem>>
        %dma_start3A_213 = arith.constant 0 : i32
        %dma_start3A_214 = arith.constant 0 : i32
        %dma_start3A_215 = tpu.memref_slice %arg10[%dma_start3A_213, %dma_start3A_214] : memref<10000x64xf32, #tpu.memory_space<vmem_shared>> -> memref<10000x64xf32, #tpu.memory_space<vmem_shared>>
        tpu.enqueue_indirect_dma source(%dma_start3A_209 : memref<80x64xf32, #tpu.memory_space<vmem>>) target(%dma_start3A_215 : memref<10000x64xf32, #tpu.memory_space<vmem_shared>>) offsets(%dma_start3A_212 : memref<80xi32, #tpu.memory_space<vmem>>) semaphore(%run_scoped3A_205 : memref<!tpu.dma_semaphore, #tpu.memory_space<semaphore_mem>>) {add = true}
        %dma_wait3A_216 = arith.constant 0 : i32
        %dma_wait3A_217 = arith.constant 0 : i32
        %dma_wait3A_218 = tpu.memref_slice %arg8[%run_scoped3A_184, %dma_wait3A_216, %dma_wait3A_217] : memref<5x80x64xf32, #tpu.memory_space<vmem>> -> memref<1x80x64xf32, #tpu.memory_space<vmem>>
        %dma_wait3A_219 = tpu.memref_squeeze %dma_wait3A_218 : memref<1x80x64xf32, #tpu.memory_space<vmem>> -> memref<80x64xf32, #tpu.memory_space<vmem>>
        %dma_wait3A_220 = arith.constant 0 : i32
        %dma_wait3A_221 = tpu.memref_slice %arg7[%add3A_183, %dma_wait3A_220] : memref<125x80xi32, #tpu.memory_space<vmem>> -> memref<1x80xi32, #tpu.memory_space<vmem>>
        %dma_wait3A_222 = tpu.memref_squeeze %dma_wait3A_221 : memref<1x80xi32, #tpu.memory_space<vmem>> -> memref<80xi32, #tpu.memory_space<vmem>>
        %dma_wait3A_223 = arith.constant 0 : i32
        %dma_wait3A_224 = arith.constant 0 : i32
        %dma_wait3A_225 = tpu.memref_slice %arg10[%dma_wait3A_223, %dma_wait3A_224] : memref<10000x64xf32, #tpu.memory_space<vmem_shared>> -> memref<10000x64xf32, #tpu.memory_space<vmem_shared>>
        tpu.wait_indirect_dma semaphore(%run_scoped3A_205 : memref<!tpu.dma_semaphore, #tpu.memory_space<semaphore_mem>>) src(%dma_wait3A_219 : memref<80x64xf32, #tpu.memory_space<vmem>>) dst(%dma_wait3A_225 : memref<10000x64xf32, #tpu.memory_space<vmem_shared>>)
        tpu.yield
      }) : () -> ()
      %mul3A_185 = arith.constant 5 : i32
      %mul3A_186 = arith.muli %add3A_32, %mul3A_185 : i32
      %add3A_187 = arith.constant 4 : i32
      %add3A_188 = arith.addi %mul3A_186, %add3A_187 : i32
      %dma_wait3A_189 = arith.constant 4 : i32
      %dma_wait3A_190 = arith.constant 0 : i32
      %dma_wait3A_191 = arith.constant 0 : i32
      %dma_wait3A_192 = tpu.memref_slice %arg8[%dma_wait3A_189, %dma_wait3A_190, %dma_wait3A_191] : memref<5x80x64xf32, #tpu.memory_space<vmem>> -> memref<1x80x64xf32, #tpu.memory_space<vmem>>
      %dma_wait3A_193 = tpu.memref_squeeze %dma_wait3A_192 : memref<1x80x64xf32, #tpu.memory_space<vmem>> -> memref<80x64xf32, #tpu.memory_space<vmem>>
      %dma_wait3A_194 = arith.constant 0 : i32
      %dma_wait3A_195 = tpu.memref_slice %arg6[%add3A_188, %dma_wait3A_194] : memref<125x80xi32, #tpu.memory_space<vmem>> -> memref<1x80xi32, #tpu.memory_space<vmem>>
      %dma_wait3A_196 = tpu.memref_squeeze %dma_wait3A_195 : memref<1x80xi32, #tpu.memory_space<vmem>> -> memref<80xi32, #tpu.memory_space<vmem>>
      %dma_wait3A_197 = arith.constant 0 : i32
      %dma_wait3A_198 = arith.constant 0 : i32
      %dma_wait3A_199 = tpu.memref_slice %arg9[%dma_wait3A_197, %dma_wait3A_198] : memref<10000x64xf32, #tpu.memory_space<vmem_shared>> -> memref<10000x64xf32, #tpu.memory_space<vmem_shared>>
      tpu.wait_indirect_dma semaphore(%arg15 : memref<!tpu.dma_semaphore, #tpu.memory_space<semaphore_mem>>) src(%dma_wait3A_199 : memref<10000x64xf32, #tpu.memory_space<vmem_shared>>) dst(%dma_wait3A_193 : memref<80x64xf32, #tpu.memory_space<vmem>>)
      %mul3A_200 = arith.constant 5 : i32
      %mul3A_201 = arith.muli %add3A_32, %mul3A_200 : i32
      %add3A_202 = arith.constant 4 : i32
      %add3A_203 = arith.addi %mul3A_201, %add3A_202 : i32
      %run_scoped3A_204 = arith.constant 4 : i32
      "tpu.region"() ({
        %run_scoped3A_205 = tpu.sem_alloc : memref<!tpu.dma_semaphore, #tpu.memory_space<semaphore_mem>>
        %dma_start3A_206 = arith.constant 0 : i32
        %dma_start3A_207 = arith.constant 0 : i32
        %dma_start3A_208 = tpu.memref_slice %arg8[%run_scoped3A_204, %dma_start3A_206, %dma_start3A_207] : memref<5x80x64xf32, #tpu.memory_space<vmem>> -> memref<1x80x64xf32, #tpu.memory_space<vmem>>
        %dma_start3A_209 = tpu.memref_squeeze %dma_start3A_208 : memref<1x80x64xf32, #tpu.memory_space<vmem>> -> memref<80x64xf32, #tpu.memory_space<vmem>>
        %dma_start3A_210 = arith.constant 0 : i32
        %dma_start3A_211 = tpu.memref_slice %arg7[%add3A_203, %dma_start3A_210] : memref<125x80xi32, #tpu.memory_space<vmem>> -> memref<1x80xi32, #tpu.memory_space<vmem>>
        %dma_start3A_212 = tpu.memref_squeeze %dma_start3A_211 : memref<1x80xi32, #tpu.memory_space<vmem>> -> memref<80xi32, #tpu.memory_space<vmem>>
        %dma_start3A_213 = arith.constant 0 : i32
        %dma_start3A_214 = arith.constant 0 : i32
        %dma_start3A_215 = tpu.memref_slice %arg10[%dma_start3A_213, %dma_start3A_214] : memref<10000x64xf32, #tpu.memory_space<vmem_shared>> -> memref<10000x64xf32, #tpu.memory_space<vmem_shared>>
        tpu.enqueue_indirect_dma source(%dma_start3A_209 : memref<80x64xf32, #tpu.memory_space<vmem>>) target(%dma_start3A_215 : memref<10000x64xf32, #tpu.memory_space<vmem_shared>>) offsets(%dma_start3A_212 : memref<80xi32, #tpu.memory_space<vmem>>) semaphore(%run_scoped3A_205 : memref<!tpu.dma_semaphore, #tpu.memory_space<semaphore_mem>>) {add = true}
        %dma_wait3A_216 = arith.constant 0 : i32
        %dma_wait3A_217 = arith.constant 0 : i32
        %dma_wait3A_218 = tpu.memref_slice %arg8[%run_scoped3A_204, %dma_wait3A_216, %dma_wait3A_217] : memref<5x80x64xf32, #tpu.memory_space<vmem>> -> memref<1x80x64xf32, #tpu.memory_space<vmem>>
        %dma_wait3A_219 = tpu.memref_squeeze %dma_wait3A_218 : memref<1x80x64xf32, #tpu.memory_space<vmem>> -> memref<80x64xf32, #tpu.memory_space<vmem>>
        %dma_wait3A_220 = arith.constant 0 : i32
        %dma_wait3A_221 = tpu.memref_slice %arg7[%add3A_203, %dma_wait3A_220] : memref<125x80xi32, #tpu.memory_space<vmem>> -> memref<1x80xi32, #tpu.memory_space<vmem>>
        %dma_wait3A_222 = tpu.memref_squeeze %dma_wait3A_221 : memref<1x80xi32, #tpu.memory_space<vmem>> -> memref<80xi32, #tpu.memory_space<vmem>>
        %dma_wait3A_223 = arith.constant 0 : i32
        %dma_wait3A_224 = arith.constant 0 : i32
        %dma_wait3A_225 = tpu.memref_slice %arg10[%dma_wait3A_223, %dma_wait3A_224] : memref<10000x64xf32, #tpu.memory_space<vmem_shared>> -> memref<10000x64xf32, #tpu.memory_space<vmem_shared>>
        tpu.wait_indirect_dma semaphore(%run_scoped3A_205 : memref<!tpu.dma_semaphore, #tpu.memory_space<semaphore_mem>>) src(%dma_wait3A_219 : memref<80x64xf32, #tpu.memory_space<vmem>>) dst(%dma_wait3A_225 : memref<10000x64xf32, #tpu.memory_space<vmem_shared>>)
        tpu.yield
      }) : () -> ()
    }
    %scan3A_11 = arith.constant 25 : i32
    %barrier3A_12 = arith.constant 0 : index
    tpu.barrier barrier_id(%barrier3A_12)
    "tpu.region"() ({
      %run_scoped3A = tpu.sem_alloc : memref<!tpu.dma_semaphore, #tpu.memory_space<semaphore_mem>>
      %dma_start3A = tpu.memref_slice %arg5[%mul3A_0, %mul3A_7] : memref<10000x256xf32, #tpu.memory_space<hbm>> -> memref<625x64xf32, #tpu.memory_space<hbm>>
      %dma_start3A_28 = arith.constant 0 : i32
      %dma_start3A_29 = tpu.memref_slice %arg10[%mul3A_0, %dma_start3A_28] : memref<10000x64xf32, #tpu.memory_space<vmem_shared>> -> memref<625x64xf32, #tpu.memory_space<vmem_shared>>
      tpu.enqueue_dma source(%dma_start3A_29 : memref<625x64xf32, #tpu.memory_space<vmem_shared>>) target(%dma_start3A : memref<625x64xf32, #tpu.memory_space<hbm>>) target_semaphore(%run_scoped3A : memref<!tpu.dma_semaphore, #tpu.memory_space<semaphore_mem>>)
      %dma_wait3A = tpu.memref_slice %arg5[%mul3A_0, %mul3A_7] : memref<10000x256xf32, #tpu.memory_space<hbm>> -> memref<625x64xf32, #tpu.memory_space<hbm>>
      %dma_wait3A_30 = arith.constant 0 : i32
      %dma_wait3A_31 = tpu.memref_slice %arg10[%mul3A_0, %dma_wait3A_30] : memref<10000x64xf32, #tpu.memory_space<vmem_shared>> -> memref<625x64xf32, #tpu.memory_space<vmem_shared>>
      tpu.wait_dma2 semaphore(%run_scoped3A : memref<!tpu.dma_semaphore, #tpu.memory_space<semaphore_mem>>) src(%dma_wait3A_31 : memref<625x64xf32, #tpu.memory_space<vmem_shared>>) dst(%dma_wait3A : memref<625x64xf32, #tpu.memory_space<hbm>>)
      tpu.yield
    }) : () -> ()
    %barrier3A_13 = arith.constant 0 : index
    tpu.barrier barrier_id(%barrier3A_13)
    %mul3A_14 = arith.constant 2 : i32
    %mul3A_15 = arith.muli %arg0, %mul3A_14 : i32
    %add3A_16 = arith.constant 1 : i32
    %add3A_17 = arith.addi %mul3A_15, %add3A_16 : i32
    %mul3A_18 = arith.constant 64 : i32
    %mul3A_19 = arith.muli %add3A_17, %mul3A_18 : i32
    "tpu.region"() ({
      %run_scoped3A = tpu.sem_alloc : memref<!tpu.dma_semaphore, #tpu.memory_space<semaphore_mem>>
      %dma_start3A = arith.constant 0 : i32
      %dma_start3A_28 = tpu.memref_slice %arg9[%mul3A_0, %dma_start3A] : memref<10000x64xf32, #tpu.memory_space<vmem_shared>> -> memref<625x64xf32, #tpu.memory_space<vmem_shared>>
      %dma_start3A_29 = tpu.memref_slice %arg2[%mul3A_0, %mul3A_19] : memref<10000x256xf32, #tpu.memory_space<hbm>> -> memref<625x64xf32, #tpu.memory_space<hbm>>
      tpu.enqueue_dma source(%dma_start3A_29 : memref<625x64xf32, #tpu.memory_space<hbm>>) target(%dma_start3A_28 : memref<625x64xf32, #tpu.memory_space<vmem_shared>>) target_semaphore(%run_scoped3A : memref<!tpu.dma_semaphore, #tpu.memory_space<semaphore_mem>>)
      %dma_wait3A = arith.constant 0 : i32
      %dma_wait3A_30 = tpu.memref_slice %arg9[%mul3A_0, %dma_wait3A] : memref<10000x64xf32, #tpu.memory_space<vmem_shared>> -> memref<625x64xf32, #tpu.memory_space<vmem_shared>>
      %dma_wait3A_31 = tpu.memref_slice %arg2[%mul3A_0, %mul3A_19] : memref<10000x256xf32, #tpu.memory_space<hbm>> -> memref<625x64xf32, #tpu.memory_space<hbm>>
      tpu.wait_dma2 semaphore(%run_scoped3A : memref<!tpu.dma_semaphore, #tpu.memory_space<semaphore_mem>>) src(%dma_wait3A_31 : memref<625x64xf32, #tpu.memory_space<hbm>>) dst(%dma_wait3A_30 : memref<625x64xf32, #tpu.memory_space<vmem_shared>>)
      tpu.yield
    }) : () -> ()
    "tpu.region"() ({
      %run_scoped3A = tpu.sem_alloc : memref<!tpu.dma_semaphore, #tpu.memory_space<semaphore_mem>>
      %dma_start3A = arith.constant 0 : i32
      %dma_start3A_28 = tpu.memref_slice %arg10[%mul3A_0, %dma_start3A] : memref<10000x64xf32, #tpu.memory_space<vmem_shared>> -> memref<625x64xf32, #tpu.memory_space<vmem_shared>>
      %dma_start3A_29 = tpu.memref_slice %arg2[%mul3A_0, %mul3A_19] : memref<10000x256xf32, #tpu.memory_space<hbm>> -> memref<625x64xf32, #tpu.memory_space<hbm>>
      tpu.enqueue_dma source(%dma_start3A_29 : memref<625x64xf32, #tpu.memory_space<hbm>>) target(%dma_start3A_28 : memref<625x64xf32, #tpu.memory_space<vmem_shared>>) target_semaphore(%run_scoped3A : memref<!tpu.dma_semaphore, #tpu.memory_space<semaphore_mem>>)
      %dma_wait3A = arith.constant 0 : i32
      %dma_wait3A_30 = tpu.memref_slice %arg10[%mul3A_0, %dma_wait3A] : memref<10000x64xf32, #tpu.memory_space<vmem_shared>> -> memref<625x64xf32, #tpu.memory_space<vmem_shared>>
      %dma_wait3A_31 = tpu.memref_slice %arg2[%mul3A_0, %mul3A_19] : memref<10000x256xf32, #tpu.memory_space<hbm>> -> memref<625x64xf32, #tpu.memory_space<hbm>>
      tpu.wait_dma2 semaphore(%run_scoped3A : memref<!tpu.dma_semaphore, #tpu.memory_space<semaphore_mem>>) src(%dma_wait3A_31 : memref<625x64xf32, #tpu.memory_space<hbm>>) dst(%dma_wait3A_30 : memref<625x64xf32, #tpu.memory_space<vmem_shared>>)
      tpu.yield
    }) : () -> ()
    %barrier3A_20 = arith.constant 0 : index
    tpu.barrier barrier_id(%barrier3A_20)
    %scan3A_21 = arith.constant 0 : i32
    %scan3A_22 = arith.constant 25 : i32
    %scan3A_23 = arith.addi %scan3A_21, %scan3A_22 : i32
    %scan3A_24 = arith.constant 1 : i32
    scf.for %scan3A_28 = %scan3A_21 to %scan3A_23 step %scan3A_24  : i32 {
      %mul3A_29 = arith.constant 1 : i32
      %mul3A_30 = arith.muli %scan3A_28, %mul3A_29 : i32
      %add3A_31 = arith.constant 0 : i32
      %add3A_32 = arith.addi %add3A_31, %mul3A_30 : i32
      %mul3A_33 = arith.constant 5 : i32
      %mul3A_34 = arith.muli %add3A_32, %mul3A_33 : i32
      %add3A_35 = arith.constant 0 : i32
      %add3A_36 = arith.addi %mul3A_34, %add3A_35 : i32
      %dma_start3A = arith.constant 0 : i32
      %dma_start3A_37 = arith.constant 0 : i32
      %dma_start3A_38 = arith.constant 0 : i32
      %dma_start3A_39 = tpu.memref_slice %arg8[%dma_start3A, %dma_start3A_37, %dma_start3A_38] : memref<5x80x64xf32, #tpu.memory_space<vmem>> -> memref<1x80x64xf32, #tpu.memory_space<vmem>>
      %dma_start3A_40 = tpu.memref_squeeze %dma_start3A_39 : memref<1x80x64xf32, #tpu.memory_space<vmem>> -> memref<80x64xf32, #tpu.memory_space<vmem>>
      %dma_start3A_41 = arith.constant 0 : i32
      %dma_start3A_42 = tpu.memref_slice %arg6[%add3A_36, %dma_start3A_41] : memref<125x80xi32, #tpu.memory_space<vmem>> -> memref<1x80xi32, #tpu.memory_space<vmem>>
      %dma_start3A_43 = tpu.memref_squeeze %dma_start3A_42 : memref<1x80xi32, #tpu.memory_space<vmem>> -> memref<80xi32, #tpu.memory_space<vmem>>
      %dma_start3A_44 = arith.constant 0 : i32
      %dma_start3A_45 = arith.constant 0 : i32
      %dma_start3A_46 = tpu.memref_slice %arg9[%dma_start3A_44, %dma_start3A_45] : memref<10000x64xf32, #tpu.memory_space<vmem_shared>> -> memref<10000x64xf32, #tpu.memory_space<vmem_shared>>
      tpu.enqueue_indirect_dma source(%dma_start3A_46 : memref<10000x64xf32, #tpu.memory_space<vmem_shared>>) target(%dma_start3A_40 : memref<80x64xf32, #tpu.memory_space<vmem>>) offsets(%dma_start3A_43 : memref<80xi32, #tpu.memory_space<vmem>>) semaphore(%arg11 : memref<!tpu.dma_semaphore, #tpu.memory_space<semaphore_mem>>)
      %mul3A_47 = arith.constant 5 : i32
      %mul3A_48 = arith.muli %add3A_32, %mul3A_47 : i32
      %add3A_49 = arith.constant 1 : i32
      %add3A_50 = arith.addi %mul3A_48, %add3A_49 : i32
      %dma_start3A_51 = arith.constant 1 : i32
      %dma_start3A_52 = arith.constant 0 : i32
      %dma_start3A_53 = arith.constant 0 : i32
      %dma_start3A_54 = tpu.memref_slice %arg8[%dma_start3A_51, %dma_start3A_52, %dma_start3A_53] : memref<5x80x64xf32, #tpu.memory_space<vmem>> -> memref<1x80x64xf32, #tpu.memory_space<vmem>>
      %dma_start3A_55 = tpu.memref_squeeze %dma_start3A_54 : memref<1x80x64xf32, #tpu.memory_space<vmem>> -> memref<80x64xf32, #tpu.memory_space<vmem>>
      %dma_start3A_56 = arith.constant 0 : i32
      %dma_start3A_57 = tpu.memref_slice %arg6[%add3A_50, %dma_start3A_56] : memref<125x80xi32, #tpu.memory_space<vmem>> -> memref<1x80xi32, #tpu.memory_space<vmem>>
      %dma_start3A_58 = tpu.memref_squeeze %dma_start3A_57 : memref<1x80xi32, #tpu.memory_space<vmem>> -> memref<80xi32, #tpu.memory_space<vmem>>
      %dma_start3A_59 = arith.constant 0 : i32
      %dma_start3A_60 = arith.constant 0 : i32
      %dma_start3A_61 = tpu.memref_slice %arg9[%dma_start3A_59, %dma_start3A_60] : memref<10000x64xf32, #tpu.memory_space<vmem_shared>> -> memref<10000x64xf32, #tpu.memory_space<vmem_shared>>
      tpu.enqueue_indirect_dma source(%dma_start3A_61 : memref<10000x64xf32, #tpu.memory_space<vmem_shared>>) target(%dma_start3A_55 : memref<80x64xf32, #tpu.memory_space<vmem>>) offsets(%dma_start3A_58 : memref<80xi32, #tpu.memory_space<vmem>>) semaphore(%arg12 : memref<!tpu.dma_semaphore, #tpu.memory_space<semaphore_mem>>)
      %mul3A_62 = arith.constant 5 : i32
      %mul3A_63 = arith.muli %add3A_32, %mul3A_62 : i32
      %add3A_64 = arith.constant 2 : i32
      %add3A_65 = arith.addi %mul3A_63, %add3A_64 : i32
      %dma_start3A_66 = arith.constant 2 : i32
      %dma_start3A_67 = arith.constant 0 : i32
      %dma_start3A_68 = arith.constant 0 : i32
      %dma_start3A_69 = tpu.memref_slice %arg8[%dma_start3A_66, %dma_start3A_67, %dma_start3A_68] : memref<5x80x64xf32, #tpu.memory_space<vmem>> -> memref<1x80x64xf32, #tpu.memory_space<vmem>>
      %dma_start3A_70 = tpu.memref_squeeze %dma_start3A_69 : memref<1x80x64xf32, #tpu.memory_space<vmem>> -> memref<80x64xf32, #tpu.memory_space<vmem>>
      %dma_start3A_71 = arith.constant 0 : i32
      %dma_start3A_72 = tpu.memref_slice %arg6[%add3A_65, %dma_start3A_71] : memref<125x80xi32, #tpu.memory_space<vmem>> -> memref<1x80xi32, #tpu.memory_space<vmem>>
      %dma_start3A_73 = tpu.memref_squeeze %dma_start3A_72 : memref<1x80xi32, #tpu.memory_space<vmem>> -> memref<80xi32, #tpu.memory_space<vmem>>
      %dma_start3A_74 = arith.constant 0 : i32
      %dma_start3A_75 = arith.constant 0 : i32
      %dma_start3A_76 = tpu.memref_slice %arg9[%dma_start3A_74, %dma_start3A_75] : memref<10000x64xf32, #tpu.memory_space<vmem_shared>> -> memref<10000x64xf32, #tpu.memory_space<vmem_shared>>
      tpu.enqueue_indirect_dma source(%dma_start3A_76 : memref<10000x64xf32, #tpu.memory_space<vmem_shared>>) target(%dma_start3A_70 : memref<80x64xf32, #tpu.memory_space<vmem>>) offsets(%dma_start3A_73 : memref<80xi32, #tpu.memory_space<vmem>>) semaphore(%arg13 : memref<!tpu.dma_semaphore, #tpu.memory_space<semaphore_mem>>)
      %mul3A_77 = arith.constant 5 : i32
      %mul3A_78 = arith.muli %add3A_32, %mul3A_77 : i32
      %add3A_79 = arith.constant 3 : i32
      %add3A_80 = arith.addi %mul3A_78, %add3A_79 : i32
      %dma_start3A_81 = arith.constant 3 : i32
      %dma_start3A_82 = arith.constant 0 : i32
      %dma_start3A_83 = arith.constant 0 : i32
      %dma_start3A_84 = tpu.memref_slice %arg8[%dma_start3A_81, %dma_start3A_82, %dma_start3A_83] : memref<5x80x64xf32, #tpu.memory_space<vmem>> -> memref<1x80x64xf32, #tpu.memory_space<vmem>>
      %dma_start3A_85 = tpu.memref_squeeze %dma_start3A_84 : memref<1x80x64xf32, #tpu.memory_space<vmem>> -> memref<80x64xf32, #tpu.memory_space<vmem>>
      %dma_start3A_86 = arith.constant 0 : i32
      %dma_start3A_87 = tpu.memref_slice %arg6[%add3A_80, %dma_start3A_86] : memref<125x80xi32, #tpu.memory_space<vmem>> -> memref<1x80xi32, #tpu.memory_space<vmem>>
      %dma_start3A_88 = tpu.memref_squeeze %dma_start3A_87 : memref<1x80xi32, #tpu.memory_space<vmem>> -> memref<80xi32, #tpu.memory_space<vmem>>
      %dma_start3A_89 = arith.constant 0 : i32
      %dma_start3A_90 = arith.constant 0 : i32
      %dma_start3A_91 = tpu.memref_slice %arg9[%dma_start3A_89, %dma_start3A_90] : memref<10000x64xf32, #tpu.memory_space<vmem_shared>> -> memref<10000x64xf32, #tpu.memory_space<vmem_shared>>
      tpu.enqueue_indirect_dma source(%dma_start3A_91 : memref<10000x64xf32, #tpu.memory_space<vmem_shared>>) target(%dma_start3A_85 : memref<80x64xf32, #tpu.memory_space<vmem>>) offsets(%dma_start3A_88 : memref<80xi32, #tpu.memory_space<vmem>>) semaphore(%arg14 : memref<!tpu.dma_semaphore, #tpu.memory_space<semaphore_mem>>)
      %mul3A_92 = arith.constant 5 : i32
      %mul3A_93 = arith.muli %add3A_32, %mul3A_92 : i32
      %add3A_94 = arith.constant 4 : i32
      %add3A_95 = arith.addi %mul3A_93, %add3A_94 : i32
      %dma_start3A_96 = arith.constant 4 : i32
      %dma_start3A_97 = arith.constant 0 : i32
      %dma_start3A_98 = arith.constant 0 : i32
      %dma_start3A_99 = tpu.memref_slice %arg8[%dma_start3A_96, %dma_start3A_97, %dma_start3A_98] : memref<5x80x64xf32, #tpu.memory_space<vmem>> -> memref<1x80x64xf32, #tpu.memory_space<vmem>>
      %dma_start3A_100 = tpu.memref_squeeze %dma_start3A_99 : memref<1x80x64xf32, #tpu.memory_space<vmem>> -> memref<80x64xf32, #tpu.memory_space<vmem>>
      %dma_start3A_101 = arith.constant 0 : i32
      %dma_start3A_102 = tpu.memref_slice %arg6[%add3A_95, %dma_start3A_101] : memref<125x80xi32, #tpu.memory_space<vmem>> -> memref<1x80xi32, #tpu.memory_space<vmem>>
      %dma_start3A_103 = tpu.memref_squeeze %dma_start3A_102 : memref<1x80xi32, #tpu.memory_space<vmem>> -> memref<80xi32, #tpu.memory_space<vmem>>
      %dma_start3A_104 = arith.constant 0 : i32
      %dma_start3A_105 = arith.constant 0 : i32
      %dma_start3A_106 = tpu.memref_slice %arg9[%dma_start3A_104, %dma_start3A_105] : memref<10000x64xf32, #tpu.memory_space<vmem_shared>> -> memref<10000x64xf32, #tpu.memory_space<vmem_shared>>
      tpu.enqueue_indirect_dma source(%dma_start3A_106 : memref<10000x64xf32, #tpu.memory_space<vmem_shared>>) target(%dma_start3A_100 : memref<80x64xf32, #tpu.memory_space<vmem>>) offsets(%dma_start3A_103 : memref<80xi32, #tpu.memory_space<vmem>>) semaphore(%arg15 : memref<!tpu.dma_semaphore, #tpu.memory_space<semaphore_mem>>)
      %mul3A_107 = arith.constant 5 : i32
      %mul3A_108 = arith.muli %add3A_32, %mul3A_107 : i32
      %add3A_109 = arith.constant 0 : i32
      %add3A_110 = arith.addi %mul3A_108, %add3A_109 : i32
      %dma_wait3A = arith.constant 0 : i32
      %dma_wait3A_111 = arith.constant 0 : i32
      %dma_wait3A_112 = arith.constant 0 : i32
      %dma_wait3A_113 = tpu.memref_slice %arg8[%dma_wait3A, %dma_wait3A_111, %dma_wait3A_112] : memref<5x80x64xf32, #tpu.memory_space<vmem>> -> memref<1x80x64xf32, #tpu.memory_space<vmem>>
      %dma_wait3A_114 = tpu.memref_squeeze %dma_wait3A_113 : memref<1x80x64xf32, #tpu.memory_space<vmem>> -> memref<80x64xf32, #tpu.memory_space<vmem>>
      %dma_wait3A_115 = arith.constant 0 : i32
      %dma_wait3A_116 = tpu.memref_slice %arg6[%add3A_110, %dma_wait3A_115] : memref<125x80xi32, #tpu.memory_space<vmem>> -> memref<1x80xi32, #tpu.memory_space<vmem>>
      %dma_wait3A_117 = tpu.memref_squeeze %dma_wait3A_116 : memref<1x80xi32, #tpu.memory_space<vmem>> -> memref<80xi32, #tpu.memory_space<vmem>>
      %dma_wait3A_118 = arith.constant 0 : i32
      %dma_wait3A_119 = arith.constant 0 : i32
      %dma_wait3A_120 = tpu.memref_slice %arg9[%dma_wait3A_118, %dma_wait3A_119] : memref<10000x64xf32, #tpu.memory_space<vmem_shared>> -> memref<10000x64xf32, #tpu.memory_space<vmem_shared>>
      tpu.wait_indirect_dma semaphore(%arg11 : memref<!tpu.dma_semaphore, #tpu.memory_space<semaphore_mem>>) src(%dma_wait3A_120 : memref<10000x64xf32, #tpu.memory_space<vmem_shared>>) dst(%dma_wait3A_114 : memref<80x64xf32, #tpu.memory_space<vmem>>)
      %mul3A_121 = arith.constant 5 : i32
      %mul3A_122 = arith.muli %add3A_32, %mul3A_121 : i32
      %add3A_123 = arith.constant 0 : i32
      %add3A_124 = arith.addi %mul3A_122, %add3A_123 : i32
      %run_scoped3A = arith.constant 0 : i32
      "tpu.region"() ({
        %run_scoped3A_205 = tpu.sem_alloc : memref<!tpu.dma_semaphore, #tpu.memory_space<semaphore_mem>>
        %dma_start3A_206 = arith.constant 0 : i32
        %dma_start3A_207 = arith.constant 0 : i32
        %dma_start3A_208 = tpu.memref_slice %arg8[%run_scoped3A, %dma_start3A_206, %dma_start3A_207] : memref<5x80x64xf32, #tpu.memory_space<vmem>> -> memref<1x80x64xf32, #tpu.memory_space<vmem>>
        %dma_start3A_209 = tpu.memref_squeeze %dma_start3A_208 : memref<1x80x64xf32, #tpu.memory_space<vmem>> -> memref<80x64xf32, #tpu.memory_space<vmem>>
        %dma_start3A_210 = arith.constant 0 : i32
        %dma_start3A_211 = tpu.memref_slice %arg7[%add3A_124, %dma_start3A_210] : memref<125x80xi32, #tpu.memory_space<vmem>> -> memref<1x80xi32, #tpu.memory_space<vmem>>
        %dma_start3A_212 = tpu.memref_squeeze %dma_start3A_211 : memref<1x80xi32, #tpu.memory_space<vmem>> -> memref<80xi32, #tpu.memory_space<vmem>>
        %dma_start3A_213 = arith.constant 0 : i32
        %dma_start3A_214 = arith.constant 0 : i32
        %dma_start3A_215 = tpu.memref_slice %arg10[%dma_start3A_213, %dma_start3A_214] : memref<10000x64xf32, #tpu.memory_space<vmem_shared>> -> memref<10000x64xf32, #tpu.memory_space<vmem_shared>>
        tpu.enqueue_indirect_dma source(%dma_start3A_209 : memref<80x64xf32, #tpu.memory_space<vmem>>) target(%dma_start3A_215 : memref<10000x64xf32, #tpu.memory_space<vmem_shared>>) offsets(%dma_start3A_212 : memref<80xi32, #tpu.memory_space<vmem>>) semaphore(%run_scoped3A_205 : memref<!tpu.dma_semaphore, #tpu.memory_space<semaphore_mem>>) {add = true}
        %dma_wait3A_216 = arith.constant 0 : i32
        %dma_wait3A_217 = arith.constant 0 : i32
        %dma_wait3A_218 = tpu.memref_slice %arg8[%run_scoped3A, %dma_wait3A_216, %dma_wait3A_217] : memref<5x80x64xf32, #tpu.memory_space<vmem>> -> memref<1x80x64xf32, #tpu.memory_space<vmem>>
        %dma_wait3A_219 = tpu.memref_squeeze %dma_wait3A_218 : memref<1x80x64xf32, #tpu.memory_space<vmem>> -> memref<80x64xf32, #tpu.memory_space<vmem>>
        %dma_wait3A_220 = arith.constant 0 : i32
        %dma_wait3A_221 = tpu.memref_slice %arg7[%add3A_124, %dma_wait3A_220] : memref<125x80xi32, #tpu.memory_space<vmem>> -> memref<1x80xi32, #tpu.memory_space<vmem>>
        %dma_wait3A_222 = tpu.memref_squeeze %dma_wait3A_221 : memref<1x80xi32, #tpu.memory_space<vmem>> -> memref<80xi32, #tpu.memory_space<vmem>>
        %dma_wait3A_223 = arith.constant 0 : i32
        %dma_wait3A_224 = arith.constant 0 : i32
        %dma_wait3A_225 = tpu.memref_slice %arg10[%dma_wait3A_223, %dma_wait3A_224] : memref<10000x64xf32, #tpu.memory_space<vmem_shared>> -> memref<10000x64xf32, #tpu.memory_space<vmem_shared>>
        tpu.wait_indirect_dma semaphore(%run_scoped3A_205 : memref<!tpu.dma_semaphore, #tpu.memory_space<semaphore_mem>>) src(%dma_wait3A_219 : memref<80x64xf32, #tpu.memory_space<vmem>>) dst(%dma_wait3A_225 : memref<10000x64xf32, #tpu.memory_space<vmem_shared>>)
        tpu.yield
      }) : () -> ()
      %mul3A_125 = arith.constant 5 : i32
      %mul3A_126 = arith.muli %add3A_32, %mul3A_125 : i32
      %add3A_127 = arith.constant 1 : i32
      %add3A_128 = arith.addi %mul3A_126, %add3A_127 : i32
      %dma_wait3A_129 = arith.constant 1 : i32
      %dma_wait3A_130 = arith.constant 0 : i32
      %dma_wait3A_131 = arith.constant 0 : i32
      %dma_wait3A_132 = tpu.memref_slice %arg8[%dma_wait3A_129, %dma_wait3A_130, %dma_wait3A_131] : memref<5x80x64xf32, #tpu.memory_space<vmem>> -> memref<1x80x64xf32, #tpu.memory_space<vmem>>
      %dma_wait3A_133 = tpu.memref_squeeze %dma_wait3A_132 : memref<1x80x64xf32, #tpu.memory_space<vmem>> -> memref<80x64xf32, #tpu.memory_space<vmem>>
      %dma_wait3A_134 = arith.constant 0 : i32
      %dma_wait3A_135 = tpu.memref_slice %arg6[%add3A_128, %dma_wait3A_134] : memref<125x80xi32, #tpu.memory_space<vmem>> -> memref<1x80xi32, #tpu.memory_space<vmem>>
      %dma_wait3A_136 = tpu.memref_squeeze %dma_wait3A_135 : memref<1x80xi32, #tpu.memory_space<vmem>> -> memref<80xi32, #tpu.memory_space<vmem>>
      %dma_wait3A_137 = arith.constant 0 : i32
      %dma_wait3A_138 = arith.constant 0 : i32
      %dma_wait3A_139 = tpu.memref_slice %arg9[%dma_wait3A_137, %dma_wait3A_138] : memref<10000x64xf32, #tpu.memory_space<vmem_shared>> -> memref<10000x64xf32, #tpu.memory_space<vmem_shared>>
      tpu.wait_indirect_dma semaphore(%arg12 : memref<!tpu.dma_semaphore, #tpu.memory_space<semaphore_mem>>) src(%dma_wait3A_139 : memref<10000x64xf32, #tpu.memory_space<vmem_shared>>) dst(%dma_wait3A_133 : memref<80x64xf32, #tpu.memory_space<vmem>>)
      %mul3A_140 = arith.constant 5 : i32
      %mul3A_141 = arith.muli %add3A_32, %mul3A_140 : i32
      %add3A_142 = arith.constant 1 : i32
      %add3A_143 = arith.addi %mul3A_141, %add3A_142 : i32
      %run_scoped3A_144 = arith.constant 1 : i32
      "tpu.region"() ({
        %run_scoped3A_205 = tpu.sem_alloc : memref<!tpu.dma_semaphore, #tpu.memory_space<semaphore_mem>>
        %dma_start3A_206 = arith.constant 0 : i32
        %dma_start3A_207 = arith.constant 0 : i32
        %dma_start3A_208 = tpu.memref_slice %arg8[%run_scoped3A_144, %dma_start3A_206, %dma_start3A_207] : memref<5x80x64xf32, #tpu.memory_space<vmem>> -> memref<1x80x64xf32, #tpu.memory_space<vmem>>
        %dma_start3A_209 = tpu.memref_squeeze %dma_start3A_208 : memref<1x80x64xf32, #tpu.memory_space<vmem>> -> memref<80x64xf32, #tpu.memory_space<vmem>>
        %dma_start3A_210 = arith.constant 0 : i32
        %dma_start3A_211 = tpu.memref_slice %arg7[%add3A_143, %dma_start3A_210] : memref<125x80xi32, #tpu.memory_space<vmem>> -> memref<1x80xi32, #tpu.memory_space<vmem>>
        %dma_start3A_212 = tpu.memref_squeeze %dma_start3A_211 : memref<1x80xi32, #tpu.memory_space<vmem>> -> memref<80xi32, #tpu.memory_space<vmem>>
        %dma_start3A_213 = arith.constant 0 : i32
        %dma_start3A_214 = arith.constant 0 : i32
        %dma_start3A_215 = tpu.memref_slice %arg10[%dma_start3A_213, %dma_start3A_214] : memref<10000x64xf32, #tpu.memory_space<vmem_shared>> -> memref<10000x64xf32, #tpu.memory_space<vmem_shared>>
        tpu.enqueue_indirect_dma source(%dma_start3A_209 : memref<80x64xf32, #tpu.memory_space<vmem>>) target(%dma_start3A_215 : memref<10000x64xf32, #tpu.memory_space<vmem_shared>>) offsets(%dma_start3A_212 : memref<80xi32, #tpu.memory_space<vmem>>) semaphore(%run_scoped3A_205 : memref<!tpu.dma_semaphore, #tpu.memory_space<semaphore_mem>>) {add = true}
        %dma_wait3A_216 = arith.constant 0 : i32
        %dma_wait3A_217 = arith.constant 0 : i32
        %dma_wait3A_218 = tpu.memref_slice %arg8[%run_scoped3A_144, %dma_wait3A_216, %dma_wait3A_217] : memref<5x80x64xf32, #tpu.memory_space<vmem>> -> memref<1x80x64xf32, #tpu.memory_space<vmem>>
        %dma_wait3A_219 = tpu.memref_squeeze %dma_wait3A_218 : memref<1x80x64xf32, #tpu.memory_space<vmem>> -> memref<80x64xf32, #tpu.memory_space<vmem>>
        %dma_wait3A_220 = arith.constant 0 : i32
        %dma_wait3A_221 = tpu.memref_slice %arg7[%add3A_143, %dma_wait3A_220] : memref<125x80xi32, #tpu.memory_space<vmem>> -> memref<1x80xi32, #tpu.memory_space<vmem>>
        %dma_wait3A_222 = tpu.memref_squeeze %dma_wait3A_221 : memref<1x80xi32, #tpu.memory_space<vmem>> -> memref<80xi32, #tpu.memory_space<vmem>>
        %dma_wait3A_223 = arith.constant 0 : i32
        %dma_wait3A_224 = arith.constant 0 : i32
        %dma_wait3A_225 = tpu.memref_slice %arg10[%dma_wait3A_223, %dma_wait3A_224] : memref<10000x64xf32, #tpu.memory_space<vmem_shared>> -> memref<10000x64xf32, #tpu.memory_space<vmem_shared>>
        tpu.wait_indirect_dma semaphore(%run_scoped3A_205 : memref<!tpu.dma_semaphore, #tpu.memory_space<semaphore_mem>>) src(%dma_wait3A_219 : memref<80x64xf32, #tpu.memory_space<vmem>>) dst(%dma_wait3A_225 : memref<10000x64xf32, #tpu.memory_space<vmem_shared>>)
        tpu.yield
      }) : () -> ()
      %mul3A_145 = arith.constant 5 : i32
      %mul3A_146 = arith.muli %add3A_32, %mul3A_145 : i32
      %add3A_147 = arith.constant 2 : i32
      %add3A_148 = arith.addi %mul3A_146, %add3A_147 : i32
      %dma_wait3A_149 = arith.constant 2 : i32
      %dma_wait3A_150 = arith.constant 0 : i32
      %dma_wait3A_151 = arith.constant 0 : i32
      %dma_wait3A_152 = tpu.memref_slice %arg8[%dma_wait3A_149, %dma_wait3A_150, %dma_wait3A_151] : memref<5x80x64xf32, #tpu.memory_space<vmem>> -> memref<1x80x64xf32, #tpu.memory_space<vmem>>
      %dma_wait3A_153 = tpu.memref_squeeze %dma_wait3A_152 : memref<1x80x64xf32, #tpu.memory_space<vmem>> -> memref<80x64xf32, #tpu.memory_space<vmem>>
      %dma_wait3A_154 = arith.constant 0 : i32
      %dma_wait3A_155 = tpu.memref_slice %arg6[%add3A_148, %dma_wait3A_154] : memref<125x80xi32, #tpu.memory_space<vmem>> -> memref<1x80xi32, #tpu.memory_space<vmem>>
      %dma_wait3A_156 = tpu.memref_squeeze %dma_wait3A_155 : memref<1x80xi32, #tpu.memory_space<vmem>> -> memref<80xi32, #tpu.memory_space<vmem>>
      %dma_wait3A_157 = arith.constant 0 : i32
      %dma_wait3A_158 = arith.constant 0 : i32
      %dma_wait3A_159 = tpu.memref_slice %arg9[%dma_wait3A_157, %dma_wait3A_158] : memref<10000x64xf32, #tpu.memory_space<vmem_shared>> -> memref<10000x64xf32, #tpu.memory_space<vmem_shared>>
      tpu.wait_indirect_dma semaphore(%arg13 : memref<!tpu.dma_semaphore, #tpu.memory_space<semaphore_mem>>) src(%dma_wait3A_159 : memref<10000x64xf32, #tpu.memory_space<vmem_shared>>) dst(%dma_wait3A_153 : memref<80x64xf32, #tpu.memory_space<vmem>>)
      %mul3A_160 = arith.constant 5 : i32
      %mul3A_161 = arith.muli %add3A_32, %mul3A_160 : i32
      %add3A_162 = arith.constant 2 : i32
      %add3A_163 = arith.addi %mul3A_161, %add3A_162 : i32
      %run_scoped3A_164 = arith.constant 2 : i32
      "tpu.region"() ({
        %run_scoped3A_205 = tpu.sem_alloc : memref<!tpu.dma_semaphore, #tpu.memory_space<semaphore_mem>>
        %dma_start3A_206 = arith.constant 0 : i32
        %dma_start3A_207 = arith.constant 0 : i32
        %dma_start3A_208 = tpu.memref_slice %arg8[%run_scoped3A_164, %dma_start3A_206, %dma_start3A_207] : memref<5x80x64xf32, #tpu.memory_space<vmem>> -> memref<1x80x64xf32, #tpu.memory_space<vmem>>
        %dma_start3A_209 = tpu.memref_squeeze %dma_start3A_208 : memref<1x80x64xf32, #tpu.memory_space<vmem>> -> memref<80x64xf32, #tpu.memory_space<vmem>>
        %dma_start3A_210 = arith.constant 0 : i32
        %dma_start3A_211 = tpu.memref_slice %arg7[%add3A_163, %dma_start3A_210] : memref<125x80xi32, #tpu.memory_space<vmem>> -> memref<1x80xi32, #tpu.memory_space<vmem>>
        %dma_start3A_212 = tpu.memref_squeeze %dma_start3A_211 : memref<1x80xi32, #tpu.memory_space<vmem>> -> memref<80xi32, #tpu.memory_space<vmem>>
        %dma_start3A_213 = arith.constant 0 : i32
        %dma_start3A_214 = arith.constant 0 : i32
        %dma_start3A_215 = tpu.memref_slice %arg10[%dma_start3A_213, %dma_start3A_214] : memref<10000x64xf32, #tpu.memory_space<vmem_shared>> -> memref<10000x64xf32, #tpu.memory_space<vmem_shared>>
        tpu.enqueue_indirect_dma source(%dma_start3A_209 : memref<80x64xf32, #tpu.memory_space<vmem>>) target(%dma_start3A_215 : memref<10000x64xf32, #tpu.memory_space<vmem_shared>>) offsets(%dma_start3A_212 : memref<80xi32, #tpu.memory_space<vmem>>) semaphore(%run_scoped3A_205 : memref<!tpu.dma_semaphore, #tpu.memory_space<semaphore_mem>>) {add = true}
        %dma_wait3A_216 = arith.constant 0 : i32
        %dma_wait3A_217 = arith.constant 0 : i32
        %dma_wait3A_218 = tpu.memref_slice %arg8[%run_scoped3A_164, %dma_wait3A_216, %dma_wait3A_217] : memref<5x80x64xf32, #tpu.memory_space<vmem>> -> memref<1x80x64xf32, #tpu.memory_space<vmem>>
        %dma_wait3A_219 = tpu.memref_squeeze %dma_wait3A_218 : memref<1x80x64xf32, #tpu.memory_space<vmem>> -> memref<80x64xf32, #tpu.memory_space<vmem>>
        %dma_wait3A_220 = arith.constant 0 : i32
        %dma_wait3A_221 = tpu.memref_slice %arg7[%add3A_163, %dma_wait3A_220] : memref<125x80xi32, #tpu.memory_space<vmem>> -> memref<1x80xi32, #tpu.memory_space<vmem>>
        %dma_wait3A_222 = tpu.memref_squeeze %dma_wait3A_221 : memref<1x80xi32, #tpu.memory_space<vmem>> -> memref<80xi32, #tpu.memory_space<vmem>>
        %dma_wait3A_223 = arith.constant 0 : i32
        %dma_wait3A_224 = arith.constant 0 : i32
        %dma_wait3A_225 = tpu.memref_slice %arg10[%dma_wait3A_223, %dma_wait3A_224] : memref<10000x64xf32, #tpu.memory_space<vmem_shared>> -> memref<10000x64xf32, #tpu.memory_space<vmem_shared>>
        tpu.wait_indirect_dma semaphore(%run_scoped3A_205 : memref<!tpu.dma_semaphore, #tpu.memory_space<semaphore_mem>>) src(%dma_wait3A_219 : memref<80x64xf32, #tpu.memory_space<vmem>>) dst(%dma_wait3A_225 : memref<10000x64xf32, #tpu.memory_space<vmem_shared>>)
        tpu.yield
      }) : () -> ()
      %mul3A_165 = arith.constant 5 : i32
      %mul3A_166 = arith.muli %add3A_32, %mul3A_165 : i32
      %add3A_167 = arith.constant 3 : i32
      %add3A_168 = arith.addi %mul3A_166, %add3A_167 : i32
      %dma_wait3A_169 = arith.constant 3 : i32
      %dma_wait3A_170 = arith.constant 0 : i32
      %dma_wait3A_171 = arith.constant 0 : i32
      %dma_wait3A_172 = tpu.memref_slice %arg8[%dma_wait3A_169, %dma_wait3A_170, %dma_wait3A_171] : memref<5x80x64xf32, #tpu.memory_space<vmem>> -> memref<1x80x64xf32, #tpu.memory_space<vmem>>
      %dma_wait3A_173 = tpu.memref_squeeze %dma_wait3A_172 : memref<1x80x64xf32, #tpu.memory_space<vmem>> -> memref<80x64xf32, #tpu.memory_space<vmem>>
      %dma_wait3A_174 = arith.constant 0 : i32
      %dma_wait3A_175 = tpu.memref_slice %arg6[%add3A_168, %dma_wait3A_174] : memref<125x80xi32, #tpu.memory_space<vmem>> -> memref<1x80xi32, #tpu.memory_space<vmem>>
      %dma_wait3A_176 = tpu.memref_squeeze %dma_wait3A_175 : memref<1x80xi32, #tpu.memory_space<vmem>> -> memref<80xi32, #tpu.memory_space<vmem>>
      %dma_wait3A_177 = arith.constant 0 : i32
      %dma_wait3A_178 = arith.constant 0 : i32
      %dma_wait3A_179 = tpu.memref_slice %arg9[%dma_wait3A_177, %dma_wait3A_178] : memref<10000x64xf32, #tpu.memory_space<vmem_shared>> -> memref<10000x64xf32, #tpu.memory_space<vmem_shared>>
      tpu.wait_indirect_dma semaphore(%arg14 : memref<!tpu.dma_semaphore, #tpu.memory_space<semaphore_mem>>) src(%dma_wait3A_179 : memref<10000x64xf32, #tpu.memory_space<vmem_shared>>) dst(%dma_wait3A_173 : memref<80x64xf32, #tpu.memory_space<vmem>>)
      %mul3A_180 = arith.constant 5 : i32
      %mul3A_181 = arith.muli %add3A_32, %mul3A_180 : i32
      %add3A_182 = arith.constant 3 : i32
      %add3A_183 = arith.addi %mul3A_181, %add3A_182 : i32
      %run_scoped3A_184 = arith.constant 3 : i32
      "tpu.region"() ({
        %run_scoped3A_205 = tpu.sem_alloc : memref<!tpu.dma_semaphore, #tpu.memory_space<semaphore_mem>>
        %dma_start3A_206 = arith.constant 0 : i32
        %dma_start3A_207 = arith.constant 0 : i32
        %dma_start3A_208 = tpu.memref_slice %arg8[%run_scoped3A_184, %dma_start3A_206, %dma_start3A_207] : memref<5x80x64xf32, #tpu.memory_space<vmem>> -> memref<1x80x64xf32, #tpu.memory_space<vmem>>
        %dma_start3A_209 = tpu.memref_squeeze %dma_start3A_208 : memref<1x80x64xf32, #tpu.memory_space<vmem>> -> memref<80x64xf32, #tpu.memory_space<vmem>>
        %dma_start3A_210 = arith.constant 0 : i32
        %dma_start3A_211 = tpu.memref_slice %arg7[%add3A_183, %dma_start3A_210] : memref<125x80xi32, #tpu.memory_space<vmem>> -> memref<1x80xi32, #tpu.memory_space<vmem>>
        %dma_start3A_212 = tpu.memref_squeeze %dma_start3A_211 : memref<1x80xi32, #tpu.memory_space<vmem>> -> memref<80xi32, #tpu.memory_space<vmem>>
        %dma_start3A_213 = arith.constant 0 : i32
        %dma_start3A_214 = arith.constant 0 : i32
        %dma_start3A_215 = tpu.memref_slice %arg10[%dma_start3A_213, %dma_start3A_214] : memref<10000x64xf32, #tpu.memory_space<vmem_shared>> -> memref<10000x64xf32, #tpu.memory_space<vmem_shared>>
        tpu.enqueue_indirect_dma source(%dma_start3A_209 : memref<80x64xf32, #tpu.memory_space<vmem>>) target(%dma_start3A_215 : memref<10000x64xf32, #tpu.memory_space<vmem_shared>>) offsets(%dma_start3A_212 : memref<80xi32, #tpu.memory_space<vmem>>) semaphore(%run_scoped3A_205 : memref<!tpu.dma_semaphore, #tpu.memory_space<semaphore_mem>>) {add = true}
        %dma_wait3A_216 = arith.constant 0 : i32
        %dma_wait3A_217 = arith.constant 0 : i32
        %dma_wait3A_218 = tpu.memref_slice %arg8[%run_scoped3A_184, %dma_wait3A_216, %dma_wait3A_217] : memref<5x80x64xf32, #tpu.memory_space<vmem>> -> memref<1x80x64xf32, #tpu.memory_space<vmem>>
        %dma_wait3A_219 = tpu.memref_squeeze %dma_wait3A_218 : memref<1x80x64xf32, #tpu.memory_space<vmem>> -> memref<80x64xf32, #tpu.memory_space<vmem>>
        %dma_wait3A_220 = arith.constant 0 : i32
        %dma_wait3A_221 = tpu.memref_slice %arg7[%add3A_183, %dma_wait3A_220] : memref<125x80xi32, #tpu.memory_space<vmem>> -> memref<1x80xi32, #tpu.memory_space<vmem>>
        %dma_wait3A_222 = tpu.memref_squeeze %dma_wait3A_221 : memref<1x80xi32, #tpu.memory_space<vmem>> -> memref<80xi32, #tpu.memory_space<vmem>>
        %dma_wait3A_223 = arith.constant 0 : i32
        %dma_wait3A_224 = arith.constant 0 : i32
        %dma_wait3A_225 = tpu.memref_slice %arg10[%dma_wait3A_223, %dma_wait3A_224] : memref<10000x64xf32, #tpu.memory_space<vmem_shared>> -> memref<10000x64xf32, #tpu.memory_space<vmem_shared>>
        tpu.wait_indirect_dma semaphore(%run_scoped3A_205 : memref<!tpu.dma_semaphore, #tpu.memory_space<semaphore_mem>>) src(%dma_wait3A_219 : memref<80x64xf32, #tpu.memory_space<vmem>>) dst(%dma_wait3A_225 : memref<10000x64xf32, #tpu.memory_space<vmem_shared>>)
        tpu.yield
      }) : () -> ()
      %mul3A_185 = arith.constant 5 : i32
      %mul3A_186 = arith.muli %add3A_32, %mul3A_185 : i32
      %add3A_187 = arith.constant 4 : i32
      %add3A_188 = arith.addi %mul3A_186, %add3A_187 : i32
      %dma_wait3A_189 = arith.constant 4 : i32
      %dma_wait3A_190 = arith.constant 0 : i32
      %dma_wait3A_191 = arith.constant 0 : i32
      %dma_wait3A_192 = tpu.memref_slice %arg8[%dma_wait3A_189, %dma_wait3A_190, %dma_wait3A_191] : memref<5x80x64xf32, #tpu.memory_space<vmem>> -> memref<1x80x64xf32, #tpu.memory_space<vmem>>
      %dma_wait3A_193 = tpu.memref_squeeze %dma_wait3A_192 : memref<1x80x64xf32, #tpu.memory_space<vmem>> -> memref<80x64xf32, #tpu.memory_space<vmem>>
      %dma_wait3A_194 = arith.constant 0 : i32
      %dma_wait3A_195 = tpu.memref_slice %arg6[%add3A_188, %dma_wait3A_194] : memref<125x80xi32, #tpu.memory_space<vmem>> -> memref<1x80xi32, #tpu.memory_space<vmem>>
      %dma_wait3A_196 = tpu.memref_squeeze %dma_wait3A_195 : memref<1x80xi32, #tpu.memory_space<vmem>> -> memref<80xi32, #tpu.memory_space<vmem>>
      %dma_wait3A_197 = arith.constant 0 : i32
      %dma_wait3A_198 = arith.constant 0 : i32
      %dma_wait3A_199 = tpu.memref_slice %arg9[%dma_wait3A_197, %dma_wait3A_198] : memref<10000x64xf32, #tpu.memory_space<vmem_shared>> -> memref<10000x64xf32, #tpu.memory_space<vmem_shared>>
      tpu.wait_indirect_dma semaphore(%arg15 : memref<!tpu.dma_semaphore, #tpu.memory_space<semaphore_mem>>) src(%dma_wait3A_199 : memref<10000x64xf32, #tpu.memory_space<vmem_shared>>) dst(%dma_wait3A_193 : memref<80x64xf32, #tpu.memory_space<vmem>>)
      %mul3A_200 = arith.constant 5 : i32
      %mul3A_201 = arith.muli %add3A_32, %mul3A_200 : i32
      %add3A_202 = arith.constant 4 : i32
      %add3A_203 = arith.addi %mul3A_201, %add3A_202 : i32
      %run_scoped3A_204 = arith.constant 4 : i32
      "tpu.region"() ({
        %run_scoped3A_205 = tpu.sem_alloc : memref<!tpu.dma_semaphore, #tpu.memory_space<semaphore_mem>>
        %dma_start3A_206 = arith.constant 0 : i32
        %dma_start3A_207 = arith.constant 0 : i32
        %dma_start3A_208 = tpu.memref_slice %arg8[%run_scoped3A_204, %dma_start3A_206, %dma_start3A_207] : memref<5x80x64xf32, #tpu.memory_space<vmem>> -> memref<1x80x64xf32, #tpu.memory_space<vmem>>
        %dma_start3A_209 = tpu.memref_squeeze %dma_start3A_208 : memref<1x80x64xf32, #tpu.memory_space<vmem>> -> memref<80x64xf32, #tpu.memory_space<vmem>>
        %dma_start3A_210 = arith.constant 0 : i32
        %dma_start3A_211 = tpu.memref_slice %arg7[%add3A_203, %dma_start3A_210] : memref<125x80xi32, #tpu.memory_space<vmem>> -> memref<1x80xi32, #tpu.memory_space<vmem>>
        %dma_start3A_212 = tpu.memref_squeeze %dma_start3A_211 : memref<1x80xi32, #tpu.memory_space<vmem>> -> memref<80xi32, #tpu.memory_space<vmem>>
        %dma_start3A_213 = arith.constant 0 : i32
        %dma_start3A_214 = arith.constant 0 : i32
        %dma_start3A_215 = tpu.memref_slice %arg10[%dma_start3A_213, %dma_start3A_214] : memref<10000x64xf32, #tpu.memory_space<vmem_shared>> -> memref<10000x64xf32, #tpu.memory_space<vmem_shared>>
        tpu.enqueue_indirect_dma source(%dma_start3A_209 : memref<80x64xf32, #tpu.memory_space<vmem>>) target(%dma_start3A_215 : memref<10000x64xf32, #tpu.memory_space<vmem_shared>>) offsets(%dma_start3A_212 : memref<80xi32, #tpu.memory_space<vmem>>) semaphore(%run_scoped3A_205 : memref<!tpu.dma_semaphore, #tpu.memory_space<semaphore_mem>>) {add = true}
        %dma_wait3A_216 = arith.constant 0 : i32
        %dma_wait3A_217 = arith.constant 0 : i32
        %dma_wait3A_218 = tpu.memref_slice %arg8[%run_scoped3A_204, %dma_wait3A_216, %dma_wait3A_217] : memref<5x80x64xf32, #tpu.memory_space<vmem>> -> memref<1x80x64xf32, #tpu.memory_space<vmem>>
        %dma_wait3A_219 = tpu.memref_squeeze %dma_wait3A_218 : memref<1x80x64xf32, #tpu.memory_space<vmem>> -> memref<80x64xf32, #tpu.memory_space<vmem>>
        %dma_wait3A_220 = arith.constant 0 : i32
        %dma_wait3A_221 = tpu.memref_slice %arg7[%add3A_203, %dma_wait3A_220] : memref<125x80xi32, #tpu.memory_space<vmem>> -> memref<1x80xi32, #tpu.memory_space<vmem>>
        %dma_wait3A_222 = tpu.memref_squeeze %dma_wait3A_221 : memref<1x80xi32, #tpu.memory_space<vmem>> -> memref<80xi32, #tpu.memory_space<vmem>>
        %dma_wait3A_223 = arith.constant 0 : i32
        %dma_wait3A_224 = arith.constant 0 : i32
        %dma_wait3A_225 = tpu.memref_slice %arg10[%dma_wait3A_223, %dma_wait3A_224] : memref<10000x64xf32, #tpu.memory_space<vmem_shared>> -> memref<10000x64xf32, #tpu.memory_space<vmem_shared>>
        tpu.wait_indirect_dma semaphore(%run_scoped3A_205 : memref<!tpu.dma_semaphore, #tpu.memory_space<semaphore_mem>>) src(%dma_wait3A_219 : memref<80x64xf32, #tpu.memory_space<vmem>>) dst(%dma_wait3A_225 : memref<10000x64xf32, #tpu.memory_space<vmem_shared>>)
        tpu.yield
      }) : () -> ()
    }
    %scan3A_25 = arith.constant 25 : i32
    %barrier3A_26 = arith.constant 0 : index
    tpu.barrier barrier_id(%barrier3A_26)
    "tpu.region"() ({
      %run_scoped3A = tpu.sem_alloc : memref<!tpu.dma_semaphore, #tpu.memory_space<semaphore_mem>>
      %dma_start3A = tpu.memref_slice %arg5[%mul3A_0, %mul3A_19] : memref<10000x256xf32, #tpu.memory_space<hbm>> -> memref<625x64xf32, #tpu.memory_space<hbm>>
      %dma_start3A_28 = arith.constant 0 : i32
      %dma_start3A_29 = tpu.memref_slice %arg10[%mul3A_0, %dma_start3A_28] : memref<10000x64xf32, #tpu.memory_space<vmem_shared>> -> memref<625x64xf32, #tpu.memory_space<vmem_shared>>
      tpu.enqueue_dma source(%dma_start3A_29 : memref<625x64xf32, #tpu.memory_space<vmem_shared>>) target(%dma_start3A : memref<625x64xf32, #tpu.memory_space<hbm>>) target_semaphore(%run_scoped3A : memref<!tpu.dma_semaphore, #tpu.memory_space<semaphore_mem>>)
      %dma_wait3A = tpu.memref_slice %arg5[%mul3A_0, %mul3A_19] : memref<10000x256xf32, #tpu.memory_space<hbm>> -> memref<625x64xf32, #tpu.memory_space<hbm>>
      %dma_wait3A_30 = arith.constant 0 : i32
      %dma_wait3A_31 = tpu.memref_slice %arg10[%mul3A_0, %dma_wait3A_30] : memref<10000x64xf32, #tpu.memory_space<vmem_shared>> -> memref<625x64xf32, #tpu.memory_space<vmem_shared>>
      tpu.wait_dma2 semaphore(%run_scoped3A : memref<!tpu.dma_semaphore, #tpu.memory_space<semaphore_mem>>) src(%dma_wait3A_31 : memref<625x64xf32, #tpu.memory_space<vmem_shared>>) dst(%dma_wait3A : memref<625x64xf32, #tpu.memory_space<hbm>>)
      tpu.yield
    }) : () -> ()
    %barrier3A_27 = arith.constant 0 : index
    tpu.barrier barrier_id(%barrier3A_27)
    return
  }
}

module attributes {stable_mosaic.version = 14 : i64} {
  func.func @_mm_body(%arg0: i32, %arg1: memref<512x256xf32, #tpu.memory_space<vmem>>, %arg2: memref<512x1xf32, #tpu.memory_space<vmem>>, %arg3: memref<256x256xf32, #tpu.memory_space<vmem>>, %arg4: memref<512x256xf32, #tpu.memory_space<vmem>>) attributes {dimension_semantics = [#tpu.dimension_semantics<arbitrary>], iteration_bounds = array<i64: 20>, scalar_prefetch = 0 : i64, scratch_operands = 0 : i64, tpu.core_type = #tpu.core_type<tc>, window_params = [{transform_indices = @transform_0, window_bounds = array<i64: 512, 256>}, {transform_indices = @transform_1, window_bounds = array<i64: 512, 1>}, {pipeline_mode = #tpu.pipeline_mode<synchronous>, transform_indices = @transform_2, window_bounds = array<i64: 256, 256>}, {transform_indices = @transform_3, window_bounds = array<i64: 512, 256>}]} {
    %get3A = arith.constant 0 : index
    %get3A_0 = arith.constant 0 : index
    %get3A_1 = vector.load %arg2[%get3A, %get3A_0] : memref<512x1xf32, #tpu.memory_space<vmem>>, vector<512x1xf32>
    %get3A_2 = arith.constant 0 : index
    %get3A_3 = arith.constant 0 : index
    %get3A_4 = vector.load %arg1[%get3A_2, %get3A_3] : memref<512x256xf32, #tpu.memory_space<vmem>>, vector<512x256xf32>
    %mul3A = vector.broadcast %get3A_1 : vector<512x1xf32> to vector<512x256xf32>
    %mul3A_5 = arith.mulf %mul3A, %get3A_4 : vector<512x256xf32>
    %get3A_6 = arith.constant 0 : index
    %get3A_7 = arith.constant 0 : index
    %get3A_8 = vector.load %arg3[%get3A_6, %get3A_7] : memref<256x256xf32, #tpu.memory_space<vmem>>, vector<256x256xf32>
    %dot_general3A = arith.constant dense<0.000000e+00> : vector<512x256xf32>
    %dot_general3A_9 = tpu.matmul %mul3A_5, %get3A_8, %dot_general3A {dimension_numbers = #tpu.dot_dimension_numbers<[1], [0], [0], [1], [0, 0, 1, 1], [], []>, transpose_lhs_hint = false} : vector<512x256xf32>, vector<256x256xf32>, vector<512x256xf32> -> vector<512x256xf32>
    %swap3A = arith.constant 0 : index
    %swap3A_10 = arith.constant 0 : index
    %swap3A_11 = vector.load %arg4[%swap3A, %swap3A_10] : memref<512x256xf32, #tpu.memory_space<vmem>>, vector<512x256xf32>
    tpu.vector_store %arg4[%swap3A, %swap3A_10], %dot_general3A_9 {strides = array<i32>} : memref<512x256xf32, #tpu.memory_space<vmem>>, vector<512x256xf32>,
    return
  }
  func.func @transform_0(%arg0: i32) -> (i32, i32) {
    %c0_i32 = arith.constant 0 : i32
    %c0_i32_0 = arith.constant 0 : i32
    return %arg0, %c0_i32 : i32, i32
  }
  func.func @transform_1(%arg0: i32) -> (i32, i32) {
    %c0_i32 = arith.constant 0 : i32
    %c0_i32_0 = arith.constant 0 : i32
    return %arg0, %c0_i32 : i32, i32
  }
  func.func @transform_2(%arg0: i32) -> (i32, i32) {
    %c0_i32 = arith.constant 0 : i32
    %c0_i32_0 = arith.constant 0 : i32
    %c0_i32_1 = arith.constant 0 : i32
    return %c0_i32, %c0_i32_0 : i32, i32
  }
  func.func @transform_3(%arg0: i32) -> (i32, i32) {
    %c0_i32 = arith.constant 0 : i32
    %c0_i32_0 = arith.constant 0 : i32
    return %arg0, %c0_i32 : i32, i32
  }
}

</mosaic_0001>

<sc_bundles>
// kernel: kernel.4.cloned.1.call-start
scs
__scs_entry_jumppad:
0x0: {  	(pc) =	sbr.rel $0x88, $3  }
0x1: {  	(tag) =	ssettag $0x0;
	lr =	simm.s32 $0x1  }
0x2: {  	[smem:$0x3F9C] =	sst lr;
	_ =	strace $0xD0000000  }
0x3: {  	_ = 	snop  }
0x4: {  	_ = 	snop  }
0x5: {  	_ = 	snop  }
0x6: {  	_ = 	snop  }
0x7: {  	_ = 	snop  }
__scs_overlays_trampoline_lowered:
0x8: {  	[smem:$0x3FAB] =	sst s0  }
0x9: {  	[smem:$0x3FAC] =	sst s1  }
0xa: {  	[smem:$0x3FAD] =	sst s2  }
0xb: {  	[smem:$0x3FAE] =	sst s3  }
0xc: {  	[smem:$0x3FAF] =	sst s4  }
0xd: {  	[smem:$0x3FB0] =	sst s5  }
0xe: {  	[smem:$0x3FB1] =	sst s6  }
0xf: {  	[smem:$0x3FB2] =	sst s7  }
0x10: {  	[smem:$0x3FB3] =	sst s8  }
0x11: {  	[smem:$0x3FB4] =	sst s9;
	s0 =	simm.s32 @!p0 $0x0  }
0x12: {  	s1 =	sld [smem:$0x3F9A];
	s0 =	simm.s32 @p0 $0x1  }
0x13: {  	[smem:$0x3FB5] =	sst s0;
	s0 =	simm.s32 @!p1 $0x0  }
0x14: {  	s2 =	sld [smem:$0x3F99];
	s0 =	simm.s32 @p1 $0x1  }
0x15: {  	[smem:$0x3FB6] =	sst s0;
	s0 =	simm.s32 @!p2 $0x0  }
0x16: {  	s3 =	sld [smem:$0x3FDB];
	s0 =	simm.s32 @p2 $0x1  }
0x17: {  	s4 =	simm.s32 $0x1BF5;
	[smem:$0x3FB8] =	sst s0  }
0x18: {  	s0 =	sld [smem:$0x3F9B];
	_ =	swait.ge [sflag:s4], $0x0  }
0x19: {  	s7 =	sld [smem:$0x3F9C]  }
0x1a: {  	s8 =	sadd.s32 $0xFFFFE003, lr  }
0x1b: {  	s9 =	sadd.s32 $0xFFFFFEF7, lr;
	s5 =	simm.s32 $0xFFFFFFFF;
	p2 =	slt.u32 s8, $0xFFFFF086  }
0x1c: {  	p1 =	slt.u32 s9, $0xF7A;
	s5 =	simm.s32 @!p2 $0x0  }
0x1d: {  	s5 =	simm.s32 @p1 $0x1;
	p0 =	seq.s32 s7, s2  }
0x1e: {  	s7 =	smul.u32 @!p0 $0xF7A, s2;
	p2 =	seq.s32 @!p0 s5, $0x0  }
0x1f: {  	s9 =	smul.u32 $0xF7A, s1;
	s8 =	simm.s32 @!p0 $0x1BF5;
	p2 =	por !p2, p0  }
0x20: {  	[sflag:s8] =	ssyncset.s32 @!p0 $0xFFFFF086;
	s6 =	sadd.s32 @!p0 s3, s7;
	s7 =	simm.s32 @!p0 $0x108  }
0x21: {  	s3 =	sadd.s32 s3, s9;
	s6 =	sadd.s32 @!p0 $0x88, s6;
	s7 =	simm.s32 @p2 $0x1082  }
0x22: {  	[simem:s7], [sflag:s8] =	dma.local @!p0 [hbm:s6], $0xF7A  }
0x23: {  	s9 =	sor.u32 $0xD0000000, s2;
	s6 =	simm.s32 $0x108;
	_ =	swait.ge @!p0 [sflag:s8], $0x0  }
0x24: {  	s3 =	sadd.s32 $0x88, s3;
	s6 =	simm.s32 @!p1 $0x1082;
	[sflag:s4] =	ssyncset.s32 $0xFFFFF086  }
0x25: {  	[simem:s6], [sflag:s4] =	dma.local [hbm:s3], $0xF7A  }
0x26: {  	[smem:$0x3F9C] =	sst s1;
	(tag) =	ssettag s2;
	_ =	strace s9  }
0x27: {  	s1 =	sld [smem:$0x3FAC]  }
0x28: {  	s2 =	sld [smem:$0x3FAD]  }
0x29: {  	s4 =	sld [smem:$0x3FAF]  }
0x2a: {  	p0 =	seq.s32 s5, $0x0;
	s5 =	sld [smem:$0x3FB0]  }
0x2b: {  	s6 =	sld [smem:$0x3FB1]  }
0x2c: {  	s7 =	sld [smem:$0x3FB2]  }
0x2d: {  	s3 =	simm.s32 $0x108;
	s8 =	sld [smem:$0x3FB3]  }
0x2e: {  	s3 =	simm.s32 @!p0 $0x1082;
	s9 =	sld [smem:$0x3FB4]  }
0x2f: {  	lr =	sadd.s32 s0, s3;
	s0 =	sld [smem:$0x3FAB]  }
0x30: {  	s3 =	sld [smem:$0x3FAE]  }
0x31: {  	[smem:$0x3FB7] =	sst s10  }
0x32: {  	s10 =	sld [smem:$0x3FB5];
	_ =	sdelay $0x3  }
0x33: {  	p0 =	seq.s32 s10, $0x1;
	s10 =	sld [smem:$0x3FB7];
	_ =	sdelay $0x3  }
0x34: {  	[smem:$0x3FB7] =	sst s10  }
0x35: {  	s10 =	sld [smem:$0x3FB6];
	_ =	sdelay $0x3  }
0x36: {  	p1 =	seq.s32 s10, $0x1;
	s10 =	sld [smem:$0x3FB7];
	_ =	sdelay $0x3  }
0x37: {  	[smem:$0x3FB7] =	sst s10  }
0x38: {  	s10 =	sld [smem:$0x3FB8]  }
0x39: {  	_ = 	snop;
	(pc) =	sbr.ind lr, $3  }
0x3a: {  	_ = 	snop  }
0x3b: {  	_ = 	snop  }
0x3c: {  	p2 =	seq.s32 s10, $0x1;
	s10 =	sld [smem:$0x3FB7]  }
0x3d: {  	_ =	shalt  }
0x3e: {  	_ =	shalt  }
0x3f: {  	_ =	shalt  }
0x40: {  	_ =	shalt  }
0x41: {  	_ =	shalt  }
0x42: {  	_ =	shalt  }
0x43: {  	_ =	shalt  }
0x44: {  	_ =	shalt  }
0x45: {  	_ =	shalt  }
0x46: {  	_ =	shalt  }
0x47: {  	_ =	shalt  }
0x48: {  	_ =	shalt  }
0x49: {  	_ =	shalt  }
0x4a: {  	_ =	shalt  }
0x4b: {  	_ =	shalt  }
0x4c: {  	_ =	shalt  }
0x4d: {  	_ =	shalt  }
0x4e: {  	_ =	shalt  }
0x4f: {  	_ =	shalt  }
0x50: {  	_ =	shalt  }
0x51: {  	_ =	shalt  }
0x52: {  	_ =	shalt  }
0x53: {  	_ =	shalt  }
0x54: {  	_ =	shalt  }
0x55: {  	_ =	shalt  }
0x56: {  	_ =	shalt  }
0x57: {  	_ =	shalt  }
0x58: {  	_ =	shalt  }
0x59: {  	_ =	shalt  }
0x5a: {  	_ =	shalt  }
0x5b: {  	_ =	shalt  }
0x5c: {  	_ =	shalt  }
0x5d: {  	_ =	shalt  }
0x5e: {  	_ =	shalt  }
0x5f: {  	_ =	shalt  }
0x60: {  	_ =	shalt  }
0x61: {  	_ =	shalt  }
0x62: {  	_ =	shalt  }
0x63: {  	_ =	shalt  }
0x64: {  	_ =	shalt  }
0x65: {  	_ =	shalt  }
0x66: {  	_ =	shalt  }
0x67: {  	_ =	shalt  }
0x68: {  	_ =	shalt  }
0x69: {  	_ =	shalt  }
0x6a: {  	_ =	shalt  }
0x6b: {  	_ =	shalt  }
0x6c: {  	_ =	shalt  }
0x6d: {  	_ =	shalt  }
0x6e: {  	_ =	shalt  }
0x6f: {  	_ =	shalt  }
0x70: {  	_ =	shalt  }
0x71: {  	_ =	shalt  }
0x72: {  	_ =	shalt  }
0x73: {  	_ =	shalt  }
0x74: {  	_ =	shalt  }
0x75: {  	_ =	shalt  }
0x76: {  	_ =	shalt  }
0x77: {  	_ =	shalt  }
0x78: {  	_ =	shalt  }
0x79: {  	_ =	shalt  }
0x7a: {  	_ =	shalt  }
0x7b: {  	_ =	shalt  }
0x7c: {  	_ =	shalt  }
0x7d: {  	_ =	shalt  }
0x7e: {  	_ =	shalt  }
0x7f: {  	_ =	shalt  }
0x80: {  	_ =	shalt  }
0x81: {  	_ =	shalt  }
0x82: {  	_ =	shalt  }
0x83: {  	_ =	shalt  }
0x84: {  	_ =	shalt  }
0x85: {  	_ =	shalt  }
0x86: {  	_ =	shalt  }
0x87: {  	_ =	shalt  }
.Lfunc_end0:
.L_simem_size_0:
called_computation_lowered:
.L_overlay_start_0:
0x88: {  	s2 =	sld [smem:$0x3FD9]  }
0x89: {  	s3 =	sld [smem:$0x3FFE];
	_ =	sdelay $0x1  }
0x8a: {  	s1 =	srdreg.scid  }
0x8b: {  	s0 =	sand.u32 $0x1, s1  }
0x8c: {  	s17 =	sshll.u32 s0, $0xA;
	s2 =	sadd.s32 s3, s2  }
0x8d: {  	s2 =	sadd.s32 s2, s17  }
0x8e: {  	[smem:$0x3FC3] =	sst s2  }
0x8f: {  	_ = 	snop  }
0x90: {  	s2 =	sld [smem:$0x3FC8]  }
0x91: {  	s18 =	sld [smem:$0x3FC7]  }
0x92: {  	s4 =	sld [smem:$0x3FD0];
	(tm) =	ssettm $0x1  }
0x93: {  	s5 =	sld [smem:$0x3FFB];
	_ =	sdelay $0x3  }
0x94: {  	_ =	strace s5  }
0x95: {  	s5 =	sld [smem:$0x3FFC];
	_ =	sdelay $0x3  }
0x96: {  	_ =	strace s5  }
0x97: {  	s5 =	sld [smem:$0x3FFD];
	_ =	sdelay $0x3  }
0x98: {  	_ =	strace s5  }
0x99: {  	_ =	strace $0x8FFFFFFF  }
0x9a: {  	s19 =	sld [smem:$0x3FDB];
	_ =	sdelay $0x1  }
0x9b: {  	s6 =	simm.s32 $_scs_section_size  }
0x9c: {  	s7 =	simm.s32 $_size__tile_overlayer_lowered;
	s8 =	simm.s32 $_tile_overlayer_lowered  }
0x9d: {  	s22 =	simm.s32 $0x1BFF;
	s21 =	sshll.u32 s8, $0x1;
	s5 =	sadd.s32 s6, s19  }
0x9e: {  	s9 =	simm.s32 $0x0;
	s20 =	sshll.u32 s7, $0x1;
	s7 =	sadd.s32 s21, s5  }
0x9f: {  	[timem:s9], [sflag:s22] =	dma.local [hbm:s7], s20  }
0xa0: {  	_ =	swait.ge [sflag:s22], s20  }
0xa1: {  	s6 =	ssub.s32 $0x0, s20;
	[sflag:s22] =	ssyncset.done $0x0  }
0xa2: {  	[sflag:s22] =	ssyncadd.s32 s6;
	_ =	sdelay $0x1  }
0xa3: {  	s23 =	simm.s32 $0x1B8B  }
0xa4: {  	_ =	swait.ge [sflag:s23], $0x1  }
0xa5: {  	[sflag:s23] =	ssyncset.done $0x0  }
0xa6: {  	s25 =	simm.s32 $0x1B8E;
	s24 =	sld [smem:$0x3FFE];
	[sflag:s23] =	ssyncadd.s32 $0xFFFFFFFF  }
0xa7: {  	s26 =	simm.s32 $execute0_lowered;
	[smem:$0x3FD2] =	sst s25  }
0xa8: {  	s7 =	sshll.u32 s26, $0x1;
	_ =	strace $0x80000046;
	[dreg:$0x1] =	wrdreg $0xFFFFFFFF  }
0xa9: {  	s28 =	simm.s32 $_size_execute0_lowered;
	s5 =	sadd.s32 s5, s7;
	[dreg:$0x0] =	wrdreg $0x0  }
0xaa: {  	s7 =	sshll.u32 s28, $0x1;
	[dreg:$0x2] =	wrdreg s5  }
0xab: {  	[dreg:$0x3] =	wrdreg s7  }
0xac: {  	[dreg:$0x4] =	wrdreg $0xC0  }
0xad: {  	_ =	task [dreg:s9], $0x5FFFF  }
0xae: {  	[dreg:$0x1] =	wrdreg $0xFFFFFFFF  }
0xaf: {  	[dreg:$0x0] =	wrdreg $0x60  }
0xb0: {  	[dreg:$0x2] =	wrdreg s4  }
0xb1: {  	[dreg:$0x3] =	wrdreg s2  }
0xb2: {  	[dreg:$0x4] =	wrdreg s18  }
0xb3: {  	[dreg:$0x5] =	wrdreg s24  }
0xb4: {  	[dreg:$0x6] =	wrdreg $0xB2200  }
0xb5: {  	[dreg:$0x7] =	wrdreg $0x14E600  }
0xb6: {  	[dreg:$0x8] =	wrdreg $0x9  }
0xb7: {  	_ =	task.clear_ibuf [dreg:s9], $0x9FFFF;
	_ =	strace $0x90000046  }
0xb8: {  	s29 =	simm.s32 $0x9;
	_ =	strace $0x80000048  }
0xb9: {  	_ =	swait.ge [sflag:s29], $0x1  }
0xba: {  	[sflag:s29] =	ssyncadd.s32 $0xFFFFFFFF  }
0xbb: {  	_ =	strace $0x90000048  }
0xbc: {  	_ =	sfence  }
0xbd: {  	s30 =	sld [smem:$0x0];
	_ =	sdelay $0x2  }
0xbe: {  	s31 =	sshll.u32 s1, $0xD;
	s1 =	sshrl.u32 s1, $0x2  }
0xbf: {  	s3 =	sand.u32 $0x4000, s31;
	s1 =	sadd.s32 s1, s30  }
0xc0: {  	s0 =	sor.u32 s3, s0;
	s1 =	sshll.u32 s1, $0x11  }
0xc1: {  	s0 =	sor.u32 s1, s0  }
0xc2: {  	s0 =	sadd.s32 $0x8F2B, s0  }
0xc3: {  	[sflag:s0] =	ssyncadd.remote.s32 $0x1  }
0xc4: {  	_ =	sfence.sel $0xFFFF  }
0xc5: {  	[dreg:$0x0] =	wrdreg $0xFFFFFFFF;
	(pc) =	sbr.abs _section_cstart, $3  }
0xc6: {  	[dreg:$0x1] =	wrdreg $0xFFFFFFFF  }
0xc7: {  	_ =	task.clear_ibuf [dreg:s9], $0x2FFFF;
	_ =	strace $0x9FFFFFFF  }
0xc8: {  	(tm) =	ssettm $0x7FFFFFFF  }
0xc9: {  	_ =	shalt  }
tec
execute0_lowered:
.L_overlay_start_1:
0x0: {  	(tag) =	ssettag $0x1  }
0x1: {  	s0 =	rddreg [dreg:$0x0]  }
0x2: {  	s3 =	rddreg [dreg:$0x1]  }
0x3: {  	s4 =	rddreg [dreg:$0x2]  }
0x4: {  	s5 =	rddreg [dreg:$0x3]  }
0x5: {  	s1 =	rddreg [dreg:$0x4]  }
0x6: {  	s2 =	rddreg [dreg:$0x5]  }
0x7: {  	s6 =	simm.s32 $0x0;
	s21 =	srdreg.scid;
	s14 =	stileid.u32  }
0x8: {  	s16 =	simm.s32 $0x1;
	s17 =	simm.s32 $0x8;
	s18 =	simm.s32 $0x20  }
0x9: {  	s20 =	simm.s32 $0x50;
	s28 =	simm.s32 $0x3;
	s29 =	simm.s32 $0x4  }
0xa: {  	s30 =	simm.s32 $0x5;
	s31 =	simm.s32 $0x0;
	s7 =	smul.u32 $0x4E2, s14  }
0xb: {  	[smem:$0x7FF] =	sst s6;
	s6 =	sand.u32 $0x1, s21;
	s8 =	smul.u32 $0x27100, s14  }
0xc: {  	s10 =	sadd.s32 $0x800, s5;
	s11 =	smul.u32 $0x9C40, s14;
	s26 =	sshll.u32 s14, $0x6  }
0xd: {  	s21 =	simm.s32 $0x4E20;
	_ =	strace $0x80000047;
	s22 =	ssub.s32 $0x2, s6  }
0xe: {  	s6 =	sshll.u32 s6, $0x7;
	s14 =	sor.u32 $0x1C06, s26;
	s26 =	simm.s32 $0x2  }
0xf: {  	s9 =	sshrl.u32 s22, $0x1;
	s5 =	sadd.s32 s3, s7;
	s23 =	sor.u32 s6, s8  }
0x10: {  	s6 =	sadd.s32 s4, s7;
	s24 =	sadd.s32 s11, s1;
	s13 =	sadd.s32 s11, s2  }
0x11: {  	s12 =	ssub.s32 s22, s9;
	s3 =	sshrl.u32 s23, $0x3;
	s15 =	sshrl.u32 s24, $0x3  }
0x12: {  	s19 =	sshrl.u32 s13, $0x3;
	s22 =	simm.s32 $0x6220;
	s23 =	simm.s32 $0x7620  }
0x13: {  	s24 =	simm.s32 $0x8A20;
	s7 =	sadd.s32 s0, s3;
	s25 =	sor.u32 $0x8, s3  }
0x14: {  	s8 =	sadd.s32 s10, s3;
	s11 =	smax.u32 s12, $0x1;
	s12 =	simm.s32 $0x6  }
0x15: {  	s9 =	sadd.s32 s0, s25;
	s10 =	sadd.s32 s10, s25;
	s25 =	simm.s32 $0x9E20  }
.LBB2_1:
0x16: {  	s0 =	simm.s32 $0x0  }
0x17: {  	[tilespmem:s0], [sflag:$0x6] =	stream.linear.gather [hbm4b:s5+s0], $0x2710, $0x38;
	[tilespmem:$0x1EAA0] =	vst v63  }
0x18: {  	_ =	swait.ge [sflag:s12], $0x2710  }
0x19: {  	[sflag:s12] =	ssyncset.done $0x0  }
0x1a: {  	s3 =	simm.s32 $0x2710;
	[sflag:s12] =	ssyncadd.s32 $0xFFFFD8F0  }
0x1b: {  	[tilespmem:s3], [sflag:$0x6] =	stream.linear.gather [hbm4b:s6+s0], $0x2710, $0x38;
	[tilespmem:$0x1EAA0] =	vst v63  }
0x1c: {  	_ =	swait.ge [sflag:s12], $0x2710  }
0x1d: {  	[sflag:s12] =	ssyncset.done $0x0  }
0x1e: {  	[sflag:s12] =	ssyncadd.s32 $0xFFFFD8F0  }
0x1f: {  	[spmem:s15@s17], [sflag:s14] =	dma.strided [hbm:s7@s18], $0x1388, s16, $0x8   }
0x20: {  	_ =	swait.ge [sflag:s12], $0x1388  }
0x21: {  	[sflag:s12] =	ssyncset.done $0x0  }
0x22: {  	[sflag:s12] =	ssyncadd.s32 $0xFFFFEC78  }
0x23: {  	[spmem:s19@s17], [sflag:s14] =	dma.strided [hbm:s7@s18], $0x1388, s16, $0x8   }
0x24: {  	_ =	swait.ge [sflag:s12], $0x1388  }
0x25: {  	[sflag:s12] =	ssyncset.done $0x0  }
0x26: {  	[sflag:s12] =	ssyncadd.s32 $0xFFFFEC78  }
0x27: {  	s13 =	simm.s32 $0x0;
	[bflag:$0x0] =	sbarrier.arrive $0xFFFF  }
0x28: {  	[tilespmem:s21], [sflag:$0x1] =	stream.indirect.gather [spmem:s1], $0x40, s13, s20, $0xb8;
	[tilespmem:$0x1EAA0] =	vst v63  }
0x29: {  	s3 =	simm.s32 $0x50  }
0x2a: {  	[tilespmem:s22], [sflag:$0x2] =	stream.indirect.gather [spmem:s1], $0x40, s3, s20, $0xb8;
	[tilespmem:$0x1EAA0] =	vst v63  }
0x2b: {  	s4 =	simm.s32 $0xA0  }
0x2c: {  	[tilespmem:s23], [sflag:$0x3] =	stream.indirect.gather [spmem:s1], $0x40, s4, s20, $0xb8;
	[tilespmem:$0x1EAA0] =	vst v63  }
0x2d: {  	s13 =	simm.s32 $0xF0  }
0x2e: {  	[tilespmem:s24], [sflag:$0x4] =	stream.indirect.gather [spmem:s1], $0x40, s13, s20, $0xb8;
	[tilespmem:$0x1EAA0] =	vst v63  }
0x2f: {  	s3 =	simm.s32 $0x140  }
0x30: {  	[tilespmem:s25], [sflag:$0x5] =	stream.indirect.gather [spmem:s1], $0x40, s3, s20, $0xb8;
	[tilespmem:$0x1EAA0] =	vst v63  }
0x31: {  	_ =	swait.ge [sflag:s16], $0x1400  }
0x32: {  	[sflag:s16] =	ssyncset.done $0x0  }
0x33: {  	s4 =	simm.s32 $0x2710;
	[sflag:s16] =	ssyncadd.s32 $0xFFFFEC00  }
0x34: {  	[spmem:s2] =	stream.indirect.scatter.add.f32 [tilespmem:s21], [sflag:$0x6], $0x40, s4, s20, $0xb8;
	[tilespmem:$0x1EAA0] =	vst v63  }
0x35: {  	_ =	swait.ge [sflag:s12], $0x1400  }
0x36: {  	[sflag:s12] =	ssyncset.done $0x0  }
0x37: {  	[sflag:s12] =	ssyncadd.s32 $0xFFFFEC00  }
0x38: {  	_ =	swait.ge [sflag:s26], $0x1400  }
0x39: {  	[sflag:s26] =	ssyncset.done $0x0  }
0x3a: {  	s13 =	simm.s32 $0x2760;
	[sflag:s26] =	ssyncadd.s32 $0xFFFFEC00  }
0x3b: {  	[spmem:s2] =	stream.indirect.scatter.add.f32 [tilespmem:s22], [sflag:$0x6], $0x40, s13, s20, $0xb8;
	[tilespmem:$0x1EAA0] =	vst v63  }
0x3c: {  	_ =	swait.ge [sflag:s12], $0x1400  }
0x3d: {  	[sflag:s12] =	ssyncset.done $0x0  }
0x3e: {  	[sflag:s12] =	ssyncadd.s32 $0xFFFFEC00  }
0x3f: {  	_ =	swait.ge [sflag:s28], $0x1400  }
0x40: {  	[sflag:s28] =	ssyncset.done $0x0  }
0x41: {  	s3 =	simm.s32 $0x27B0;
	[sflag:s28] =	ssyncadd.s32 $0xFFFFEC00  }
0x42: {  	[spmem:s2] =	stream.indirect.scatter.add.f32 [tilespmem:s23], [sflag:$0x6], $0x40, s3, s20, $0xb8;
	[tilespmem:$0x1EAA0] =	vst v63  }
0x43: {  	_ =	swait.ge [sflag:s12], $0x1400  }
0x44: {  	[sflag:s12] =	ssyncset.done $0x0  }
0x45: {  	[sflag:s12] =	ssyncadd.s32 $0xFFFFEC00  }
0x46: {  	_ =	swait.ge [sflag:s29], $0x1400  }
0x47: {  	[sflag:s29] =	ssyncset.done $0x0  }
0x48: {  	s4 =	simm.s32 $0x2800;
	[sflag:s29] =	ssyncadd.s32 $0xFFFFEC00  }
0x49: {  	[spmem:s2] =	stream.indirect.scatter.add.f32 [tilespmem:s24], [sflag:$0x6], $0x40, s4, s20, $0xb8;
	[tilespmem:$0x1EAA0] =	vst v63  }
0x4a: {  	_ =	swait.ge [sflag:s12], $0x1400  }
0x4b: {  	[sflag:s12] =	ssyncset.done $0x0  }
0x4c: {  	[sflag:s12] =	ssyncadd.s32 $0xFFFFEC00  }
0x4d: {  	_ =	swait.ge [sflag:s30], $0x1400  }
0x4e: {  	[sflag:s30] =	ssyncset.done $0x0  }
0x4f: {  	s13 =	simm.s32 $0x2850;
	[sflag:s30] =	ssyncadd.s32 $0xFFFFEC00  }
0x50: {  	[spmem:s2] =	stream.indirect.scatter.add.f32 [tilespmem:s25], [sflag:$0x6], $0x40, s13, s20, $0xb8;
	[tilespmem:$0x1EAA0] =	vst v63  }
0x51: {  	_ =	swait.ge [sflag:s12], $0x1400  }
0x52: {  	s0 =	simm.s32 $0x640;
	s3 =	simm.s32 $0xC80;
	[sflag:s12] =	ssyncset.done $0x0  }
.LBB2_2:
0x53: {  	s13 =	sshra.s32 s0, $0x2  }
0x54: {  	[sflag:s12] =	ssyncadd.s32 $0xFFFFEC00;
	s0 =	smov.u32 s3;
	s4 =	sadd.s32 $0x640, s3  }
0x55: {  	[tilespmem:s21], [sflag:$0x1] =	stream.indirect.gather [spmem:s1], $0x40, s13, s20, $0xb8;
	[tilespmem:$0x1EAA0] =	vst v63  }
0x56: {  	p0 =	sne.s32 s3, $0x9600;
	s3 =	sadd.s32 $0x50, s13  }
0x57: {  	[tilespmem:s22], [sflag:$0x2] =	stream.indirect.gather [spmem:s1], $0x40, s3, s20, $0xb8;
	[tilespmem:$0x1EAA0] =	vst v63  }
0x58: {  	s3 =	sadd.s32 $0xA0, s13  }
0x59: {  	[tilespmem:s23], [sflag:$0x3] =	stream.indirect.gather [spmem:s1], $0x40, s3, s20, $0xb8;
	[tilespmem:$0x1EAA0] =	vst v63  }
0x5a: {  	s3 =	sadd.s32 $0xF0, s13  }
0x5b: {  	[tilespmem:s24], [sflag:$0x4] =	stream.indirect.gather [spmem:s1], $0x40, s3, s20, $0xb8;
	[tilespmem:$0x1EAA0] =	vst v63  }
0x5c: {  	s3 =	sadd.s32 $0x140, s13  }
0x5d: {  	[tilespmem:s25], [sflag:$0x5] =	stream.indirect.gather [spmem:s1], $0x40, s3, s20, $0xb8;
	[tilespmem:$0x1EAA0] =	vst v63  }
0x5e: {  	_ =	swait.ge [sflag:s16], $0x1400  }
0x5f: {  	[sflag:s16] =	ssyncset.done $0x0  }
0x60: {  	s3 =	sadd.s32 $0x2710, s13;
	[sflag:s16] =	ssyncadd.s32 $0xFFFFEC00  }
0x61: {  	[spmem:s2] =	stream.indirect.scatter.add.f32 [tilespmem:s21], [sflag:$0x6], $0x40, s3, s20, $0xb8;
	[tilespmem:$0x1EAA0] =	vst v63  }
0x62: {  	_ =	swait.ge [sflag:s12], $0x1400  }
0x63: {  	[sflag:s12] =	ssyncset.done $0x0  }
0x64: {  	[sflag:s12] =	ssyncadd.s32 $0xFFFFEC00  }
0x65: {  	_ =	swait.ge [sflag:s26], $0x1400  }
0x66: {  	[sflag:s26] =	ssyncset.done $0x0  }
0x67: {  	s3 =	sadd.s32 $0x2760, s13;
	[sflag:s26] =	ssyncadd.s32 $0xFFFFEC00  }
0x68: {  	[spmem:s2] =	stream.indirect.scatter.add.f32 [tilespmem:s22], [sflag:$0x6], $0x40, s3, s20, $0xb8;
	[tilespmem:$0x1EAA0] =	vst v63  }
0x69: {  	_ =	swait.ge [sflag:s12], $0x1400  }
0x6a: {  	[sflag:s12] =	ssyncset.done $0x0  }
0x6b: {  	[sflag:s12] =	ssyncadd.s32 $0xFFFFEC00  }
0x6c: {  	_ =	swait.ge [sflag:s28], $0x1400  }
0x6d: {  	[sflag:s28] =	ssyncset.done $0x0  }
0x6e: {  	s3 =	sadd.s32 $0x27B0, s13;
	[sflag:s28] =	ssyncadd.s32 $0xFFFFEC00  }
0x6f: {  	[spmem:s2] =	stream.indirect.scatter.add.f32 [tilespmem:s23], [sflag:$0x6], $0x40, s3, s20, $0xb8;
	[tilespmem:$0x1EAA0] =	vst v63  }
0x70: {  	_ =	swait.ge [sflag:s12], $0x1400  }
0x71: {  	[sflag:s12] =	ssyncset.done $0x0  }
0x72: {  	[sflag:s12] =	ssyncadd.s32 $0xFFFFEC00  }
0x73: {  	_ =	swait.ge [sflag:s29], $0x1400  }
0x74: {  	[sflag:s29] =	ssyncset.done $0x0  }
0x75: {  	s3 =	sadd.s32 $0x2800, s13;
	[sflag:s29] =	ssyncadd.s32 $0xFFFFEC00  }
0x76: {  	[spmem:s2] =	stream.indirect.scatter.add.f32 [tilespmem:s24], [sflag:$0x6], $0x40, s3, s20, $0xb8;
	[tilespmem:$0x1EAA0] =	vst v63  }
0x77: {  	_ =	swait.ge [sflag:s12], $0x1400  }
0x78: {  	[sflag:s12] =	ssyncset.done $0x0  }
0x79: {  	[sflag:s12] =	ssyncadd.s32 $0xFFFFEC00  }
0x7a: {  	_ =	swait.ge [sflag:s30], $0x1400  }
.Ltmp0:
0x7b: {  	[sflag:s30] =	ssyncset.done $0x0;
	(pc) =	sbr.rel @p0 .LBB2_2-.Ltmp0, $4  }
0x7c: {  	s3 =	sadd.s32 $0x2850, s13;
	[sflag:s30] =	ssyncadd.s32 $0xFFFFEC00  }
0x7d: {  	[spmem:s2] =	stream.indirect.scatter.add.f32 [tilespmem:s25], [sflag:$0x6], $0x40, s3, s20, $0xb8;
	[tilespmem:$0x1EAA0] =	vst v63  }
0x7e: {  	_ =	swait.ge [sflag:s12], $0x1400  }
0x7f: {  	s3 =	smov.u32 s4;
	[sflag:s12] =	ssyncset.done $0x0  }
0x80: {  	s0 =	sshra.s32 s0, $0x2;
	[sflag:s12] =	ssyncadd.s32 $0xFFFFEC00  }
0x81: {  	[tilespmem:s21], [sflag:$0x1] =	stream.indirect.gather [spmem:s1], $0x40, s0, s20, $0xb8;
	[tilespmem:$0x1EAA0] =	vst v63  }
0x82: {  	s3 =	sadd.s32 $0x50, s0  }
0x83: {  	[tilespmem:s22], [sflag:$0x2] =	stream.indirect.gather [spmem:s1], $0x40, s3, s20, $0xb8;
	[tilespmem:$0x1EAA0] =	vst v63  }
0x84: {  	s4 =	sadd.s32 $0xA0, s0  }
0x85: {  	[tilespmem:s23], [sflag:$0x3] =	stream.indirect.gather [spmem:s1], $0x40, s4, s20, $0xb8;
	[tilespmem:$0x1EAA0] =	vst v63  }
0x86: {  	s13 =	sadd.s32 $0xF0, s0  }
0x87: {  	[tilespmem:s24], [sflag:$0x4] =	stream.indirect.gather [spmem:s1], $0x40, s13, s20, $0xb8;
	[tilespmem:$0x1EAA0] =	vst v63  }
0x88: {  	s4 =	sadd.s32 $0x140, s0  }
0x89: {  	[tilespmem:s25], [sflag:$0x5] =	stream.indirect.gather [spmem:s1], $0x40, s4, s20, $0xb8;
	[tilespmem:$0x1EAA0] =	vst v63  }
0x8a: {  	_ =	swait.ge [sflag:s16], $0x1400  }
0x8b: {  	[sflag:s16] =	ssyncset.done $0x0  }
0x8c: {  	s13 =	sadd.s32 $0x2710, s0;
	[sflag:s16] =	ssyncadd.s32 $0xFFFFEC00  }
0x8d: {  	[spmem:s2] =	stream.indirect.scatter.add.f32 [tilespmem:s21], [sflag:$0x6], $0x40, s13, s20, $0xb8;
	[tilespmem:$0x1EAA0] =	vst v63  }
0x8e: {  	_ =	swait.ge [sflag:s12], $0x1400  }
0x8f: {  	[sflag:s12] =	ssyncset.done $0x0  }
0x90: {  	[sflag:s12] =	ssyncadd.s32 $0xFFFFEC00  }
0x91: {  	_ =	swait.ge [sflag:s26], $0x1400  }
0x92: {  	[sflag:s26] =	ssyncset.done $0x0  }
0x93: {  	s4 =	sadd.s32 $0x2760, s0;
	[sflag:s26] =	ssyncadd.s32 $0xFFFFEC00  }
0x94: {  	[spmem:s2] =	stream.indirect.scatter.add.f32 [tilespmem:s22], [sflag:$0x6], $0x40, s4, s20, $0xb8;
	[tilespmem:$0x1EAA0] =	vst v63  }
0x95: {  	_ =	swait.ge [sflag:s12], $0x1400  }
0x96: {  	[sflag:s12] =	ssyncset.done $0x0  }
0x97: {  	[sflag:s12] =	ssyncadd.s32 $0xFFFFEC00  }
0x98: {  	_ =	swait.ge [sflag:s28], $0x1400  }
0x99: {  	[sflag:s28] =	ssyncset.done $0x0  }
0x9a: {  	s13 =	sadd.s32 $0x27B0, s0;
	[sflag:s28] =	ssyncadd.s32 $0xFFFFEC00  }
0x9b: {  	[spmem:s2] =	stream.indirect.scatter.add.f32 [tilespmem:s23], [sflag:$0x6], $0x40, s13, s20, $0xb8;
	[tilespmem:$0x1EAA0] =	vst v63  }
0x9c: {  	_ =	swait.ge [sflag:s12], $0x1400  }
0x9d: {  	[sflag:s12] =	ssyncset.done $0x0  }
0x9e: {  	[sflag:s12] =	ssyncadd.s32 $0xFFFFEC00  }
0x9f: {  	_ =	swait.ge [sflag:s29], $0x1400  }
0xa0: {  	[sflag:s29] =	ssyncset.done $0x0  }
0xa1: {  	s4 =	sadd.s32 $0x2800, s0;
	[sflag:s29] =	ssyncadd.s32 $0xFFFFEC00  }
0xa2: {  	[spmem:s2] =	stream.indirect.scatter.add.f32 [tilespmem:s24], [sflag:$0x6], $0x40, s4, s20, $0xb8;
	[tilespmem:$0x1EAA0] =	vst v63  }
0xa3: {  	_ =	swait.ge [sflag:s12], $0x1400  }
0xa4: {  	[sflag:s12] =	ssyncset.done $0x0  }
0xa5: {  	[sflag:s12] =	ssyncadd.s32 $0xFFFFEC00  }
0xa6: {  	_ =	swait.ge [sflag:s30], $0x1400  }
0xa7: {  	[sflag:s30] =	ssyncset.done $0x0  }
0xa8: {  	s0 =	sadd.s32 $0x2850, s0;
	[sflag:s30] =	ssyncadd.s32 $0xFFFFEC00  }
0xa9: {  	[spmem:s2] =	stream.indirect.scatter.add.f32 [tilespmem:s25], [sflag:$0x6], $0x40, s0, s20, $0xb8;
	[tilespmem:$0x1EAA0] =	vst v63  }
0xaa: {  	_ =	swait.ge [sflag:s12], $0x1400  }
0xab: {  	[sflag:s12] =	ssyncset.done $0x0  }
0xac: {  	[sflag:s12] =	ssyncadd.s32 $0xFFFFEC00  }
0xad: {  	[bflag:$0x0] =	sbarrier.arrive $0xFFFF  }
0xae: {  	[hbm:s8@s18], [sflag:s14] =	dma.strided [spmem:s19@s17], $0x1388, s16, $0x8   }
0xaf: {  	_ =	swait.ge [sflag:s12], $0x1388  }
0xb0: {  	[sflag:s12] =	ssyncset.done $0x0  }
0xb1: {  	[sflag:s12] =	ssyncadd.s32 $0xFFFFEC78  }
0xb2: {  	[bflag:$0x0] =	sbarrier.arrive $0xFFFF  }
0xb3: {  	[spmem:s15@s17], [sflag:s14] =	dma.strided [hbm:s9@s18], $0x1388, s16, $0x8   }
0xb4: {  	_ =	swait.ge [sflag:s12], $0x1388  }
0xb5: {  	[sflag:s12] =	ssyncset.done $0x0  }
0xb6: {  	[sflag:s12] =	ssyncadd.s32 $0xFFFFEC78  }
0xb7: {  	[spmem:s19@s17], [sflag:s14] =	dma.strided [hbm:s9@s18], $0x1388, s16, $0x8   }
0xb8: {  	_ =	swait.ge [sflag:s12], $0x1388  }
0xb9: {  	[sflag:s12] =	ssyncset.done $0x0  }
0xba: {  	[sflag:s12] =	ssyncadd.s32 $0xFFFFEC78  }
0xbb: {  	s13 =	simm.s32 $0x0;
	[bflag:$0x0] =	sbarrier.arrive $0xFFFF  }
0xbc: {  	[tilespmem:s21], [sflag:$0x1] =	stream.indirect.gather [spmem:s1], $0x40, s13, s20, $0xb8;
	[tilespmem:$0x1EAA0] =	vst v63  }
0xbd: {  	s3 =	simm.s32 $0x50  }
0xbe: {  	[tilespmem:s22], [sflag:$0x2] =	stream.indirect.gather [spmem:s1], $0x40, s3, s20, $0xb8;
	[tilespmem:$0x1EAA0] =	vst v63  }
0xbf: {  	s4 =	simm.s32 $0xA0  }
0xc0: {  	[tilespmem:s23], [sflag:$0x3] =	stream.indirect.gather [spmem:s1], $0x40, s4, s20, $0xb8;
	[tilespmem:$0x1EAA0] =	vst v63  }
0xc1: {  	s13 =	simm.s32 $0xF0  }
0xc2: {  	[tilespmem:s24], [sflag:$0x4] =	stream.indirect.gather [spmem:s1], $0x40, s13, s20, $0xb8;
	[tilespmem:$0x1EAA0] =	vst v63  }
0xc3: {  	s3 =	simm.s32 $0x140  }
0xc4: {  	[tilespmem:s25], [sflag:$0x5] =	stream.indirect.gather [spmem:s1], $0x40, s3, s20, $0xb8;
	[tilespmem:$0x1EAA0] =	vst v63  }
0xc5: {  	_ =	swait.ge [sflag:s16], $0x1400  }
0xc6: {  	[sflag:s16] =	ssyncset.done $0x0  }
0xc7: {  	s4 =	simm.s32 $0x2710;
	[sflag:s16] =	ssyncadd.s32 $0xFFFFEC00  }
0xc8: {  	[spmem:s2] =	stream.indirect.scatter.add.f32 [tilespmem:s21], [sflag:$0x6], $0x40, s4, s20, $0xb8;
	[tilespmem:$0x1EAA0] =	vst v63  }
0xc9: {  	_ =	swait.ge [sflag:s12], $0x1400  }
0xca: {  	[sflag:s12] =	ssyncset.done $0x0  }
0xcb: {  	[sflag:s12] =	ssyncadd.s32 $0xFFFFEC00  }
0xcc: {  	_ =	swait.ge [sflag:s26], $0x1400  }
0xcd: {  	[sflag:s26] =	ssyncset.done $0x0  }
0xce: {  	s13 =	simm.s32 $0x2760;
	[sflag:s26] =	ssyncadd.s32 $0xFFFFEC00  }
0xcf: {  	[spmem:s2] =	stream.indirect.scatter.add.f32 [tilespmem:s22], [sflag:$0x6], $0x40, s13, s20, $0xb8;
	[tilespmem:$0x1EAA0] =	vst v63  }
0xd0: {  	_ =	swait.ge [sflag:s12], $0x1400  }
0xd1: {  	[sflag:s12] =	ssyncset.done $0x0  }
0xd2: {  	[sflag:s12] =	ssyncadd.s32 $0xFFFFEC00  }
0xd3: {  	_ =	swait.ge [sflag:s28], $0x1400  }
0xd4: {  	[sflag:s28] =	ssyncset.done $0x0  }
0xd5: {  	s3 =	simm.s32 $0x27B0;
	[sflag:s28] =	ssyncadd.s32 $0xFFFFEC00  }
0xd6: {  	[spmem:s2] =	stream.indirect.scatter.add.f32 [tilespmem:s23], [sflag:$0x6], $0x40, s3, s20, $0xb8;
	[tilespmem:$0x1EAA0] =	vst v63  }
0xd7: {  	_ =	swait.ge [sflag:s12], $0x1400  }
0xd8: {  	[sflag:s12] =	ssyncset.done $0x0  }
0xd9: {  	[sflag:s12] =	ssyncadd.s32 $0xFFFFEC00  }
0xda: {  	_ =	swait.ge [sflag:s29], $0x1400  }
0xdb: {  	[sflag:s29] =	ssyncset.done $0x0  }
0xdc: {  	s4 =	simm.s32 $0x2800;
	[sflag:s29] =	ssyncadd.s32 $0xFFFFEC00  }
0xdd: {  	[spmem:s2] =	stream.indirect.scatter.add.f32 [tilespmem:s24], [sflag:$0x6], $0x40, s4, s20, $0xb8;
	[tilespmem:$0x1EAA0] =	vst v63  }
0xde: {  	_ =	swait.ge [sflag:s12], $0x1400  }
0xdf: {  	[sflag:s12] =	ssyncset.done $0x0  }
0xe0: {  	[sflag:s12] =	ssyncadd.s32 $0xFFFFEC00  }
0xe1: {  	_ =	swait.ge [sflag:s30], $0x1400  }
0xe2: {  	[sflag:s30] =	ssyncset.done $0x0  }
0xe3: {  	s13 =	simm.s32 $0x2850;
	[sflag:s30] =	ssyncadd.s32 $0xFFFFEC00  }
0xe4: {  	[spmem:s2] =	stream.indirect.scatter.add.f32 [tilespmem:s25], [sflag:$0x6], $0x40, s13, s20, $0xb8;
	[tilespmem:$0x1EAA0] =	vst v63  }
0xe5: {  	_ =	swait.ge [sflag:s12], $0x1400  }
0xe6: {  	s0 =	simm.s32 $0x640;
	s4 =	simm.s32 $0xC80;
	[sflag:s12] =	ssyncset.done $0x0  }
.LBB2_4:
0xe7: {  	s13 =	sshra.s32 s0, $0x2  }
0xe8: {  	[sflag:s12] =	ssyncadd.s32 $0xFFFFEC00;
	s0 =	smov.u32 s4;
	s3 =	sadd.s32 $0x640, s4  }
0xe9: {  	[tilespmem:s21], [sflag:$0x1] =	stream.indirect.gather [spmem:s1], $0x40, s13, s20, $0xb8;
	[tilespmem:$0x1EAA0] =	vst v63  }
0xea: {  	p0 =	sne.s32 s4, $0x9600;
	s4 =	sadd.s32 $0x50, s13  }
0xeb: {  	[tilespmem:s22], [sflag:$0x2] =	stream.indirect.gather [spmem:s1], $0x40, s4, s20, $0xb8;
	[tilespmem:$0x1EAA0] =	vst v63  }
0xec: {  	s4 =	sadd.s32 $0xA0, s13  }
0xed: {  	[tilespmem:s23], [sflag:$0x3] =	stream.indirect.gather [spmem:s1], $0x40, s4, s20, $0xb8;
	[tilespmem:$0x1EAA0] =	vst v63  }
0xee: {  	s4 =	sadd.s32 $0xF0, s13  }
0xef: {  	[tilespmem:s24], [sflag:$0x4] =	stream.indirect.gather [spmem:s1], $0x40, s4, s20, $0xb8;
	[tilespmem:$0x1EAA0] =	vst v63  }
0xf0: {  	s4 =	sadd.s32 $0x140, s13  }
0xf1: {  	[tilespmem:s25], [sflag:$0x5] =	stream.indirect.gather [spmem:s1], $0x40, s4, s20, $0xb8;
	[tilespmem:$0x1EAA0] =	vst v63  }
0xf2: {  	_ =	swait.ge [sflag:s16], $0x1400  }
0xf3: {  	[sflag:s16] =	ssyncset.done $0x0  }
0xf4: {  	s4 =	sadd.s32 $0x2710, s13;
	[sflag:s16] =	ssyncadd.s32 $0xFFFFEC00  }
0xf5: {  	[spmem:s2] =	stream.indirect.scatter.add.f32 [tilespmem:s21], [sflag:$0x6], $0x40, s4, s20, $0xb8;
	[tilespmem:$0x1EAA0] =	vst v63  }
0xf6: {  	_ =	swait.ge [sflag:s12], $0x1400  }
0xf7: {  	[sflag:s12] =	ssyncset.done $0x0  }
0xf8: {  	[sflag:s12] =	ssyncadd.s32 $0xFFFFEC00  }
0xf9: {  	_ =	swait.ge [sflag:s26], $0x1400  }
0xfa: {  	[sflag:s26] =	ssyncset.done $0x0  }
0xfb: {  	s4 =	sadd.s32 $0x2760, s13;
	[sflag:s26] =	ssyncadd.s32 $0xFFFFEC00  }
0xfc: {  	[spmem:s2] =	stream.indirect.scatter.add.f32 [tilespmem:s22], [sflag:$0x6], $0x40, s4, s20, $0xb8;
	[tilespmem:$0x1EAA0] =	vst v63  }
0xfd: {  	_ =	swait.ge [sflag:s12], $0x1400  }
0xfe: {  	[sflag:s12] =	ssyncset.done $0x0  }
0xff: {  	[sflag:s12] =	ssyncadd.s32 $0xFFFFEC00  }
0x100: {  	_ =	swait.ge [sflag:s28], $0x1400  }
0x101: {  	[sflag:s28] =	ssyncset.done $0x0  }
0x102: {  	s4 =	sadd.s32 $0x27B0, s13;
	[sflag:s28] =	ssyncadd.s32 $0xFFFFEC00  }
0x103: {  	[spmem:s2] =	stream.indirect.scatter.add.f32 [tilespmem:s23], [sflag:$0x6], $0x40, s4, s20, $0xb8;
	[tilespmem:$0x1EAA0] =	vst v63  }
0x104: {  	_ =	swait.ge [sflag:s12], $0x1400  }
0x105: {  	[sflag:s12] =	ssyncset.done $0x0  }
0x106: {  	[sflag:s12] =	ssyncadd.s32 $0xFFFFEC00  }
0x107: {  	_ =	swait.ge [sflag:s29], $0x1400  }
0x108: {  	[sflag:s29] =	ssyncset.done $0x0  }
0x109: {  	s4 =	sadd.s32 $0x2800, s13;
	[sflag:s29] =	ssyncadd.s32 $0xFFFFEC00  }
0x10a: {  	[spmem:s2] =	stream.indirect.scatter.add.f32 [tilespmem:s24], [sflag:$0x6], $0x40, s4, s20, $0xb8;
	[tilespmem:$0x1EAA0] =	vst v63  }
0x10b: {  	_ =	swait.ge [sflag:s12], $0x1400  }
0x10c: {  	[sflag:s12] =	ssyncset.done $0x0  }
0x10d: {  	[sflag:s12] =	ssyncadd.s32 $0xFFFFEC00  }
0x10e: {  	_ =	swait.ge [sflag:s30], $0x1400  }
.Ltmp1:
0x10f: {  	[sflag:s30] =	ssyncset.done $0x0;
	(pc) =	sbr.rel @p0 .LBB2_4-.Ltmp1, $4  }
0x110: {  	s4 =	sadd.s32 $0x2850, s13;
	[sflag:s30] =	ssyncadd.s32 $0xFFFFEC00  }
0x111: {  	[spmem:s2] =	stream.indirect.scatter.add.f32 [tilespmem:s25], [sflag:$0x6], $0x40, s4, s20, $0xb8;
	[tilespmem:$0x1EAA0] =	vst v63  }
0x112: {  	_ =	swait.ge [sflag:s12], $0x1400  }
0x113: {  	s4 =	smov.u32 s3;
	[sflag:s12] =	ssyncset.done $0x0  }
0x114: {  	s0 =	sshra.s32 s0, $0x2;
	[sflag:s12] =	ssyncadd.s32 $0xFFFFEC00  }
0x115: {  	[tilespmem:s21], [sflag:$0x1] =	stream.indirect.gather [spmem:s1], $0x40, s0, s20, $0xb8;
	[tilespmem:$0x1EAA0] =	vst v63  }
0x116: {  	s3 =	sadd.s32 $0x50, s0  }
0x117: {  	[tilespmem:s22], [sflag:$0x2] =	stream.indirect.gather [spmem:s1], $0x40, s3, s20, $0xb8;
	[tilespmem:$0x1EAA0] =	vst v63  }
0x118: {  	s13 =	sadd.s32 $0xA0, s0  }
0x119: {  	[tilespmem:s23], [sflag:$0x3] =	stream.indirect.gather [spmem:s1], $0x40, s13, s20, $0xb8;
	[tilespmem:$0x1EAA0] =	vst v63  }
0x11a: {  	s4 =	sadd.s32 $0xF0, s0  }
0x11b: {  	[tilespmem:s24], [sflag:$0x4] =	stream.indirect.gather [spmem:s1], $0x40, s4, s20, $0xb8;
	[tilespmem:$0x1EAA0] =	vst v63  }
0x11c: {  	s13 =	sadd.s32 $0x140, s0  }
0x11d: {  	[tilespmem:s25], [sflag:$0x5] =	stream.indirect.gather [spmem:s1], $0x40, s13, s20, $0xb8;
	[tilespmem:$0x1EAA0] =	vst v63  }
0x11e: {  	_ =	swait.ge [sflag:s16], $0x1400  }
0x11f: {  	[sflag:s16] =	ssyncset.done $0x0  }
0x120: {  	s4 =	sadd.s32 $0x2710, s0;
	[sflag:s16] =	ssyncadd.s32 $0xFFFFEC00  }
0x121: {  	[spmem:s2] =	stream.indirect.scatter.add.f32 [tilespmem:s21], [sflag:$0x6], $0x40, s4, s20, $0xb8;
	[tilespmem:$0x1EAA0] =	vst v63  }
0x122: {  	_ =	swait.ge [sflag:s12], $0x1400  }
0x123: {  	[sflag:s12] =	ssyncset.done $0x0  }
0x124: {  	[sflag:s12] =	ssyncadd.s32 $0xFFFFEC00  }
0x125: {  	_ =	swait.ge [sflag:s26], $0x1400  }
0x126: {  	[sflag:s26] =	ssyncset.done $0x0  }
0x127: {  	s13 =	sadd.s32 $0x2760, s0;
	[sflag:s26] =	ssyncadd.s32 $0xFFFFEC00  }
0x128: {  	[spmem:s2] =	stream.indirect.scatter.add.f32 [tilespmem:s22], [sflag:$0x6], $0x40, s13, s20, $0xb8;
	[tilespmem:$0x1EAA0] =	vst v63  }
0x129: {  	_ =	swait.ge [sflag:s12], $0x1400  }
0x12a: {  	[sflag:s12] =	ssyncset.done $0x0  }
0x12b: {  	[sflag:s12] =	ssyncadd.s32 $0xFFFFEC00  }
0x12c: {  	_ =	swait.ge [sflag:s28], $0x1400  }
0x12d: {  	[sflag:s28] =	ssyncset.done $0x0  }
0x12e: {  	s4 =	sadd.s32 $0x27B0, s0;
	[sflag:s28] =	ssyncadd.s32 $0xFFFFEC00  }
0x12f: {  	[spmem:s2] =	stream.indirect.scatter.add.f32 [tilespmem:s23], [sflag:$0x6], $0x40, s4, s20, $0xb8;
	[tilespmem:$0x1EAA0] =	vst v63  }
0x130: {  	_ =	swait.ge [sflag:s12], $0x1400  }
0x131: {  	[sflag:s12] =	ssyncset.done $0x0  }
0x132: {  	[sflag:s12] =	ssyncadd.s32 $0xFFFFEC00  }
0x133: {  	_ =	swait.ge [sflag:s29], $0x1400  }
0x134: {  	[sflag:s29] =	ssyncset.done $0x0  }
0x135: {  	s13 =	sadd.s32 $0x2800, s0;
	[sflag:s29] =	ssyncadd.s32 $0xFFFFEC00  }
0x136: {  	[spmem:s2] =	stream.indirect.scatter.add.f32 [tilespmem:s24], [sflag:$0x6], $0x40, s13, s20, $0xb8;
	[tilespmem:$0x1EAA0] =	vst v63  }
0x137: {  	_ =	swait.ge [sflag:s12], $0x1400  }
0x138: {  	[sflag:s12] =	ssyncset.done $0x0  }
0x139: {  	[sflag:s12] =	ssyncadd.s32 $0xFFFFEC00  }
0x13a: {  	_ =	swait.ge [sflag:s30], $0x1400  }
0x13b: {  	[sflag:s30] =	ssyncset.done $0x0  }
0x13c: {  	s0 =	sadd.s32 $0x2850, s0;
	[sflag:s30] =	ssyncadd.s32 $0xFFFFEC00  }
0x13d: {  	[spmem:s2] =	stream.indirect.scatter.add.f32 [tilespmem:s25], [sflag:$0x6], $0x40, s0, s20, $0xb8;
	[tilespmem:$0x1EAA0] =	vst v63  }
0x13e: {  	_ =	swait.ge [sflag:s12], $0x1400  }
0x13f: {  	[sflag:s12] =	ssyncset.done $0x0  }
0x140: {  	s31 =	sadd.s32 $0x1, s31;
	[sflag:s12] =	ssyncadd.s32 $0xFFFFEC00  }
0x141: {  	p0 =	sne.s32 s31, s11;
	[bflag:$0x0] =	sbarrier.arrive $0xFFFF  }
0x142: {  	[hbm:s10@s18], [sflag:s14] =	dma.strided [spmem:s19@s17], $0x1388, s16, $0x8   }
.Ltmp2:
0x143: {  	_ =	swait.ge [sflag:s12], $0x1388;
	(pc) =	sbr.rel @p0 .LBB2_1-.Ltmp2, $3  }
0x144: {  	[sflag:s12] =	ssyncset.done $0x0  }
0x145: {  	[sflag:s12] =	ssyncadd.s32 $0xFFFFEC78  }
0x146: {  	[bflag:$0x0] =	sbarrier.arrive $0xFFFF;
	_ =	sdelay $0x1  }
0x147: {  	_ =	sfence.sel $0x180000  }
0x148: {  	[bflag:$0x0] =	sbarrier.arrive $0xFFFF  }
0x149: {  	_ =	strace $0x90000047  }
0x14a: {  	s0 =	stileid.u32;
	[bflag:$0x2] =	sbarrier.arrive $0xFFFF  }
0x14b: {  	p0 =	sne.s32 s0, $0x0;
	s0 =	rddreg [dreg:$0x6]  }
0x14c: {  	s0 =	sadd.s32 @!p0 $0x100000, s0  }
0x14d: {  	[sflag:s0] =	ssyncadd.tile.s32 @!p0 $0x1;
	_ =	shalt  }
.Lfunc_end2:
_tile_overlayer_lowered:
.L_overlay_start_2:
0x14e: {  	(tag) =	ssettag $0x2  }
0x14f: {  	s0 =	rddreg [dreg:$0x0];
	s2 =	stileid.u32  }
0x150: {  	s1 =	rddreg [dreg:$0x1];
	p0 =	sne.s32 s2, $0x0  }
0x151: {  	s3 =	rddreg [dreg:$0x2];
	[bflag:$0x3] =	sbarrier.arrive $0xFFFF;
	s2 =	simm.s32 @!p0 $0x1C06  }
0x152: {  	[timem:s3], [sflag:s2] =	dma.local @!p0 [hbm:s0], s1  }
0x153: {  	s0 =	simm.s32 @!p0 $0x6  }
0x154: {  	_ =	swait.ge @!p0 [sflag:s0], s1  }
0x155: {  	s1 =	ssub.s32 @!p0 $0x0, s1;
	[sflag:s0] =	ssyncset.done @!p0 $0x0  }
0x156: {  	[sflag:s0] =	ssyncadd.s32 @!p0 s1  }
0x157: {  	[bflag:$0x3] =	sbarrier.arrive $0xFFFF  }
0x158: {  	_ =	shalt  }

</sc_bundles>
